<compile_context>
chip_gen: v7x
topology: tpu7x:2x2x1
jax: 0.10.2.dev20260603
libtpu: 0.0.44.dev20260713+nightly
codegen_flags: <defaults>
</compile_context>

<pallas_src>
import functools

import jax
import jax.numpy as jnp
from jax import lax
from jax.experimental import pallas as pl
from jax.experimental.pallas import tpu as pltpu
from jax.experimental.pallas import tpu_sc as plsc

NC, NS = 2, 16
NW = NC * NS
NB = 16384
BPW = NB // NW
NGRP = BPW // 16
N_UI = 1000
N_T = 100
TIW = 128
K = 64
MROWS = 2 * N_UI + N_T
NIDX = 3 * BPW // 128


def _tables_body(ui_ref, iu_ref, ij_ref, ji_ref, ti_ref, it_ref, m_ref):
    dn = (((0,), (0,)), ((), ()))
    mui = lax.dot_general(ui_ref[...], iu_ref[...], dn,
                          preferred_element_type=jnp.float32)
    mij = lax.dot_general(ij_ref[...], ji_ref[...], dn,
                          preferred_element_type=jnp.float32)
    for k in range(2):
        m_ref[k, 0:N_UI, 0, :] = mui[:, k * 128:(k + 1) * 128]
        m_ref[k, N_UI:2 * N_UI, 0, :] = mij[:, k * 128:(k + 1) * 128]

    @pl.when(pl.program_id(0) == 0)
    def _():
        it128 = jnp.concatenate(
            [it_ref[...], jnp.full((K, TIW - N_T), jnp.nan, jnp.float32)],
            axis=1)
        m_ref[0, 2 * N_UI:MROWS, 0, :] = lax.dot_general(
            ti_ref[...], it128, dn, preferred_element_type=jnp.float32)


_tables = pl.pallas_call(
    _tables_body,
    grid=(4,),
    in_specs=[
        pl.BlockSpec((K, N_UI), lambda b: (0, 0)),
        pl.BlockSpec((K, 256), lambda b: (0, b)),
        pl.BlockSpec((K, N_UI), lambda b: (0, 0)),
        pl.BlockSpec((K, 256), lambda b: (0, b)),
        pl.BlockSpec((K, N_T), lambda b: (0, 0)),
        pl.BlockSpec((K, N_T), lambda b: (0, 0)),
    ],
    out_specs=pl.BlockSpec((2, MROWS, 1, 128), lambda b: (b, 0, 0, 0)),
    out_shape=jax.ShapeDtypeStruct((8, MROWS, 1, 128), jnp.float32),
)

MBLK = MROWS * 128

_mesh = plsc.VectorSubcoreMesh(core_axis_name="c", subcore_axis_name="s",
                               num_cores=NC, num_subcores=NS)


@functools.partial(
    pl.kernel,
    out_type=jax.ShapeDtypeStruct((NW, 16), jnp.float32),
    mesh=_mesh,
    compiler_params=pltpu.CompilerParams(needs_layout_passes=False),
    scratch_types=[
        pltpu.VMEM((BPW,), jnp.int32),
        pltpu.VMEM((BPW,), jnp.int32),
        pltpu.VMEM((BPW,), jnp.int32),
        pltpu.VMEM((BPW,), jnp.int32),
        pltpu.VMEM((BPW,), jnp.float32),
        pltpu.VMEM((BPW,), jnp.float32),
        pltpu.VMEM((16,), jnp.float32),
        pltpu.VMEM((1024,), jnp.float32),
        pltpu.VMEM((1024,), jnp.float32),
        pltpu.VMEM((128,), jnp.float32),
        pltpu.VMEM((1024,), jnp.float32),
        pltpu.VMEM((3 * BPW,), jnp.int32),
        pltpu.VMEM((3 * BPW,), jnp.float32),
        pltpu.VMEM((BPW,), jnp.float32),
        pltpu.VMEM((16,), jnp.float32),
        pltpu.SemaphoreType.DMA,
        pltpu.SemaphoreType.DMA,
        pltpu.SemaphoreType.DMA,
    ],
)
def _sc_loss(t_hbm, u_hbm, i_hbm, j_hbm, pr_hbm, r_hbm, a_hbm,
             bu_hbm, bi_hbm, bt_hbm, th_hbm, m_hbm, out_hbm,
             t_v, u_v, i_v, j_v, pr_v, r_v, a_v,
             bu_v, bi_v, bt_v, th_v,
             idx_v, g_v, bias_v, acc_v, sem, sem2, gsem):
    wid = lax.axis_index("s") * NC + lax.axis_index("c")
    base = wid * BPW

    stage1 = [
        pltpu.async_copy(t_hbm.at[pl.ds(base, BPW)], t_v, sem),
        pltpu.async_copy(u_hbm.at[pl.ds(base, BPW)], u_v, sem),
        pltpu.async_copy(i_hbm.at[pl.ds(base, BPW)], i_v, sem),
        pltpu.async_copy(j_hbm.at[pl.ds(base, BPW)], j_v, sem),
    ]
    stage2 = [
        pltpu.async_copy(pr_hbm.at[pl.ds(base, BPW)], pr_v, sem2),
        pltpu.async_copy(r_hbm.at[pl.ds(base, BPW)], r_v, sem2),
        pltpu.async_copy(a_hbm, a_v, sem2),
        pltpu.async_copy(bu_hbm, bu_v.at[pl.ds(0, N_UI)], sem2),
        pltpu.async_copy(bi_hbm, bi_v.at[pl.ds(0, N_UI)], sem2),
        pltpu.async_copy(bt_hbm, bt_v.at[pl.ds(0, N_T)], sem2),
        pltpu.async_copy(th_hbm, th_v.at[pl.ds(0, N_UI)], sem2),
    ]
    for cp in stage1:
        cp.wait()

    def _idx_body(g, _):
        sl = pl.ds(g * 16, 16)
        tt = t_v[sl]
        uu = u_v[sl]
        ii = i_v[sl]
        jj = j_v[sl]
        idx_v[sl] = (ii >> 7) * MBLK + uu * 128 + (ii & 127)
        idx_v[pl.ds(BPW + g * 16, 16)] = (
            (jj >> 7) * MBLK + (N_UI + ii) * 128 + (jj & 127))
        idx_v[pl.ds(2 * BPW + g * 16, 16)] = (
            (2 * N_UI + tt) * 128 + jnp.minimum(ii, N_T))
        return 0

    lax.fori_loop(0, NGRP, _idx_body, 0)

    gather = pltpu.async_copy(m_hbm.at[idx_v], g_v, gsem)

    for cp in stage2:
        cp.wait()

    def _bias_body(g, _):
        sl = pl.ds(g * 16, 16)
        tt = t_v[sl]
        uu = u_v[sl]
        ii = i_v[sl]
        bias_v[sl] = (a_v[:] - r_v[sl]
                      + plsc.load_gather(bi_v, [ii])
                      + plsc.load_gather(bt_v, [tt])
                      + plsc.load_gather(th_v, [uu]) * pr_v[sl]
                      + plsc.load_gather(bu_v, [uu]))
        return 0

    lax.fori_loop(0, NGRP, _bias_body, 0)

    gather.wait()

    def _acc_body(g, acc):
        sl = pl.ds(g * 16, 16)
        diff = (bias_v[sl] + g_v[sl] + g_v[pl.ds(BPW + g * 16, 16)]
                + g_v[pl.ds(2 * BPW + g * 16, 16)])
        return acc + diff * diff

    acc_v[:] = lax.fori_loop(0, NGRP, _acc_body, jnp.zeros((16,), jnp.float32))
    pltpu.sync_copy(acc_v, out_hbm.at[wid])


def kernel(sampleT, sampleU, sampleI, sampleJ, samplePR, sampleR, alpha,
           betaU, betaI, betaT, thetaU,
           gammaUI, gammaIU, gammaIJ, gammaJI, gammaTI, gammaIT):
    m = _tables(gammaUI.T, gammaIU.T, gammaIJ.T, gammaJI.T,
                gammaTI.T, gammaIT.T)
    alpha16 = jnp.full((16,), alpha, jnp.float32)
    out = _sc_loss(sampleT, sampleU, sampleI, sampleJ, samplePR, sampleR,
                   alpha16, betaU, betaI, betaT, thetaU, m.reshape(-1))
    return jnp.sum(out) * (0.5 / NB)

# --- scband reference (transcript-rebuilt; emitter-appended) ---
"""Pipeline reference for scband-rbmcwt-53626961657996 (READ-ONLY COPY).

The authoritative reference and input builder live on the scoring server;
editing this copy changes nothing except your own understanding.
"""

import jax, jax.numpy as jnp
import numpy as np

N_USERS = 1000
N_ITEMS = 1000
N_TIMES = 100
K = 64
B = 16384
UI = 1.0
IJ = 1.0


def setup_inputs(seed: int = 0) -> dict:
    key = jax.random.key(seed)
    ks = jax.random.split(key, 16)
    inp = {}
    inp["sampleT"] = jax.random.randint(ks[0], (B,), 0, 90)
    inp["sampleU"] = jax.random.randint(ks[1], (B,), 0, 950)
    inp["sampleI"] = jax.random.randint(ks[2], (B,), 0, 950)
    inp["sampleJ"] = jax.random.randint(ks[3], (B,), 0, 950)
    inp["samplePR"] = jax.random.uniform(ks[4], (B,), dtype=jnp.float32)
    inp["sampleR"] = jax.random.uniform(ks[5], (B,), dtype=jnp.float32) * 5.0
    inp["alpha"] = jnp.float32(3.5)
    inp["betaU"] = 0.001 * jax.random.normal(ks[6], (N_USERS,), dtype=jnp.float32)
    inp["betaI"] = 0.001 * jax.random.normal(ks[7], (N_ITEMS,), dtype=jnp.float32)
    inp["betaT"] = 0.001 * jax.random.normal(ks[8], (N_TIMES,), dtype=jnp.float32)
    inp["thetaU"] = 0.001 * jax.random.normal(ks[9], (N_USERS,), dtype=jnp.float32)
    inp["gammaUI"] = 0.001 * jax.random.normal(ks[10], (N_USERS, K), dtype=jnp.float32)
    inp["gammaIU"] = 0.001 * jax.random.normal(ks[11], (N_ITEMS, K), dtype=jnp.float32)
    inp["gammaIJ"] = 0.001 * jax.random.normal(ks[12], (N_ITEMS, K), dtype=jnp.float32)
    inp["gammaJI"] = 0.001 * jax.random.normal(ks[13], (N_ITEMS, K), dtype=jnp.float32)
    inp["gammaTI"] = 0.001 * jax.random.normal(ks[14], (N_TIMES, K), dtype=jnp.float32)
    inp["gammaIT"] = 0.001 * jax.random.normal(ks[15], (N_TIMES, K), dtype=jnp.float32)
    return inp


def reference(sampleT, sampleU, sampleI, sampleJ, samplePR, sampleR, alpha, betaU, betaI, betaT, thetaU, gammaUI, gammaIU, gammaIJ, gammaJI, gammaTI, gammaIT):
    g_ui = jnp.take(gammaUI, sampleU, axis=0)
    g_iu = jnp.take(gammaIU, sampleI, axis=0)
    g_ij = jnp.take(gammaIJ, sampleI, axis=0)
    g_ji = jnp.take(gammaJI, sampleJ, axis=0)
    g_ti = jnp.take(gammaTI, sampleT, axis=0)
    g_it = jnp.take(gammaIT, sampleI, axis=0)
    b_i = jnp.take(betaI, sampleI, axis=0)
    b_u = jnp.take(betaU, sampleU, axis=0)
    b_t = jnp.take(betaT, sampleT, axis=0)
    th_u = jnp.take(thetaU, sampleU, axis=0)
    little_bias = (b_i + b_t + th_u * samplePR + UI * b_u
                   + UI * jnp.sum(g_ui * g_iu, axis=1)
                   + IJ * jnp.sum(g_ij * g_ji, axis=1)
                   + jnp.sum(g_ti * g_it, axis=1))
    pred = alpha + little_bias
    diff = pred - sampleR
    # tf.nn.l2_loss(x) = 0.5 * sum(x**2); divided by len(sampleR)
    loss = 0.5 * jnp.sum(diff * diff) / sampleR.shape[0]
    return loss

if __name__ == "__main__":
    import jax
    _d = setup_inputs()
    print(jax.jit(kernel)(*tuple(_d.values())))

</pallas_src>

<mosaic_0001>
#map = affine_map<(d0, d1) -> (0)>
#map1 = affine_map<(d0, d1) -> (0, 0)>
module attributes {stable_mosaic.version = 14 : i64} {
  func.func @_sc_loss(%arg0: i32, %arg1: i32, %arg2: memref<16384xi32, #tpu.memory_space<hbm>>, %arg3: memref<16384xi32, #tpu.memory_space<hbm>>, %arg4: memref<16384xi32, #tpu.memory_space<hbm>>, %arg5: memref<16384xi32, #tpu.memory_space<hbm>>, %arg6: memref<16384xf32, #tpu.memory_space<hbm>>, %arg7: memref<16384xf32, #tpu.memory_space<hbm>>, %arg8: memref<16xf32, #tpu.memory_space<hbm>>, %arg9: memref<1000xf32, #tpu.memory_space<hbm>>, %arg10: memref<1000xf32, #tpu.memory_space<hbm>>, %arg11: memref<100xf32, #tpu.memory_space<hbm>>, %arg12: memref<1000xf32, #tpu.memory_space<hbm>>, %arg13: memref<2150400xf32, #tpu.memory_space<hbm>>, %arg14: memref<32x16xf32, #tpu.memory_space<hbm>>, %arg15: memref<512xi32, #tpu.memory_space<vmem>>, %arg16: memref<512xi32, #tpu.memory_space<vmem>>, %arg17: memref<512xi32, #tpu.memory_space<vmem>>, %arg18: memref<512xi32, #tpu.memory_space<vmem>>, %arg19: memref<512xf32, #tpu.memory_space<vmem>>, %arg20: memref<512xf32, #tpu.memory_space<vmem>>, %arg21: memref<16xf32, #tpu.memory_space<vmem>>, %arg22: memref<1024xf32, #tpu.memory_space<vmem>>, %arg23: memref<1024xf32, #tpu.memory_space<vmem>>, %arg24: memref<128xf32, #tpu.memory_space<vmem>>, %arg25: memref<1024xf32, #tpu.memory_space<vmem>>, %arg26: memref<1536xi32, #tpu.memory_space<vmem>>, %arg27: memref<1536xf32, #tpu.memory_space<vmem>>, %arg28: memref<512xf32, #tpu.memory_space<vmem>>, %arg29: memref<16xf32, #tpu.memory_space<vmem>>, %arg30: memref<!tpu.dma_semaphore, #tpu.memory_space<semaphore_mem>>, %arg31: memref<!tpu.dma_semaphore, #tpu.memory_space<semaphore_mem>>, %arg32: memref<!tpu.dma_semaphore, #tpu.memory_space<semaphore_mem>>) attributes {dimension_semantics = [#tpu.dimension_semantics<core_parallel>, #tpu.dimension_semantics<subcore_parallel>], iteration_bounds = array<i64: 2, 16>, scalar_prefetch = 0 : i64, scratch_operands = 18 : i64, tpu.core_type = #tpu.core_type<sc_vector_subcore>, window_params = [{transform_indices = #map}, {transform_indices = #map}, {transform_indices = #map}, {transform_indices = #map}, {transform_indices = #map}, {transform_indices = #map}, {transform_indices = #map}, {transform_indices = #map}, {transform_indices = #map}, {transform_indices = #map}, {transform_indices = #map}, {transform_indices = #map}, {transform_indices = #map1}]} {
    %mul3A = arith.constant 2 : i32
    %mul3A_0 = arith.muli %arg1, %mul3A : i32
    %add3A = arith.addi %mul3A_0, %arg0 : i32
    %mul3A_1 = arith.constant 512 : i32
    %mul3A_2 = arith.muli %add3A, %mul3A_1 : i32
    %dma_start3A = tpu.memref_slice %arg2[%mul3A_2] : memref<16384xi32, #tpu.memory_space<hbm>> -> memref<512xi32, #tpu.memory_space<hbm>>
    %dma_start3A_3 = tpu.memref_slice %arg2[%mul3A_2] : memref<16384xi32, #tpu.memory_space<hbm>> -> memref<512xi32, #tpu.memory_space<hbm>>
    tpu.enqueue_dma source(%dma_start3A_3 : memref<512xi32, #tpu.memory_space<hbm>>) target(%arg15 : memref<512xi32, #tpu.memory_space<vmem>>) target_semaphore(%arg30 : memref<!tpu.dma_semaphore, #tpu.memory_space<semaphore_mem>>)
    %dma_start3A_4 = tpu.memref_slice %arg3[%mul3A_2] : memref<16384xi32, #tpu.memory_space<hbm>> -> memref<512xi32, #tpu.memory_space<hbm>>
    %dma_start3A_5 = tpu.memref_slice %arg3[%mul3A_2] : memref<16384xi32, #tpu.memory_space<hbm>> -> memref<512xi32, #tpu.memory_space<hbm>>
    tpu.enqueue_dma source(%dma_start3A_5 : memref<512xi32, #tpu.memory_space<hbm>>) target(%arg16 : memref<512xi32, #tpu.memory_space<vmem>>) target_semaphore(%arg30 : memref<!tpu.dma_semaphore, #tpu.memory_space<semaphore_mem>>)
    %dma_start3A_6 = tpu.memref_slice %arg4[%mul3A_2] : memref<16384xi32, #tpu.memory_space<hbm>> -> memref<512xi32, #tpu.memory_space<hbm>>
    %dma_start3A_7 = tpu.memref_slice %arg4[%mul3A_2] : memref<16384xi32, #tpu.memory_space<hbm>> -> memref<512xi32, #tpu.memory_space<hbm>>
    tpu.enqueue_dma source(%dma_start3A_7 : memref<512xi32, #tpu.memory_space<hbm>>) target(%arg17 : memref<512xi32, #tpu.memory_space<vmem>>) target_semaphore(%arg30 : memref<!tpu.dma_semaphore, #tpu.memory_space<semaphore_mem>>)
    %dma_start3A_8 = tpu.memref_slice %arg5[%mul3A_2] : memref<16384xi32, #tpu.memory_space<hbm>> -> memref<512xi32, #tpu.memory_space<hbm>>
    %dma_start3A_9 = tpu.memref_slice %arg5[%mul3A_2] : memref<16384xi32, #tpu.memory_space<hbm>> -> memref<512xi32, #tpu.memory_space<hbm>>
    tpu.enqueue_dma source(%dma_start3A_9 : memref<512xi32, #tpu.memory_space<hbm>>) target(%arg18 : memref<512xi32, #tpu.memory_space<vmem>>) target_semaphore(%arg30 : memref<!tpu.dma_semaphore, #tpu.memory_space<semaphore_mem>>)
    %dma_start3A_10 = tpu.memref_slice %arg6[%mul3A_2] : memref<16384xf32, #tpu.memory_space<hbm>> -> memref<512xf32, #tpu.memory_space<hbm>>
    %dma_start3A_11 = tpu.memref_slice %arg6[%mul3A_2] : memref<16384xf32, #tpu.memory_space<hbm>> -> memref<512xf32, #tpu.memory_space<hbm>>
    tpu.enqueue_dma source(%dma_start3A_11 : memref<512xf32, #tpu.memory_space<hbm>>) target(%arg19 : memref<512xf32, #tpu.memory_space<vmem>>) target_semaphore(%arg31 : memref<!tpu.dma_semaphore, #tpu.memory_space<semaphore_mem>>)
    %dma_start3A_12 = tpu.memref_slice %arg7[%mul3A_2] : memref<16384xf32, #tpu.memory_space<hbm>> -> memref<512xf32, #tpu.memory_space<hbm>>
    %dma_start3A_13 = tpu.memref_slice %arg7[%mul3A_2] : memref<16384xf32, #tpu.memory_space<hbm>> -> memref<512xf32, #tpu.memory_space<hbm>>
    tpu.enqueue_dma source(%dma_start3A_13 : memref<512xf32, #tpu.memory_space<hbm>>) target(%arg20 : memref<512xf32, #tpu.memory_space<vmem>>) target_semaphore(%arg31 : memref<!tpu.dma_semaphore, #tpu.memory_space<semaphore_mem>>)
    tpu.enqueue_dma source(%arg8 : memref<16xf32, #tpu.memory_space<hbm>>) target(%arg21 : memref<16xf32, #tpu.memory_space<vmem>>) target_semaphore(%arg31 : memref<!tpu.dma_semaphore, #tpu.memory_space<semaphore_mem>>)
    %dma_start3A_14 = arith.constant 0 : i32
    %dma_start3A_15 = tpu.memref_slice %arg22[%dma_start3A_14] : memref<1024xf32, #tpu.memory_space<vmem>> -> memref<1000xf32, #tpu.memory_space<vmem>>
    %dma_start3A_16 = arith.constant 0 : i32
    %dma_start3A_17 = tpu.memref_slice %arg22[%dma_start3A_16] : memref<1024xf32, #tpu.memory_space<vmem>> -> memref<1000xf32, #tpu.memory_space<vmem>>
    tpu.enqueue_dma source(%arg9 : memref<1000xf32, #tpu.memory_space<hbm>>) target(%dma_start3A_17 : memref<1000xf32, #tpu.memory_space<vmem>>) target_semaphore(%arg31 : memref<!tpu.dma_semaphore, #tpu.memory_space<semaphore_mem>>)
    %dma_start3A_18 = arith.constant 0 : i32
    %dma_start3A_19 = tpu.memref_slice %arg23[%dma_start3A_18] : memref<1024xf32, #tpu.memory_space<vmem>> -> memref<1000xf32, #tpu.memory_space<vmem>>
    %dma_start3A_20 = arith.constant 0 : i32
    %dma_start3A_21 = tpu.memref_slice %arg23[%dma_start3A_20] : memref<1024xf32, #tpu.memory_space<vmem>> -> memref<1000xf32, #tpu.memory_space<vmem>>
    tpu.enqueue_dma source(%arg10 : memref<1000xf32, #tpu.memory_space<hbm>>) target(%dma_start3A_21 : memref<1000xf32, #tpu.memory_space<vmem>>) target_semaphore(%arg31 : memref<!tpu.dma_semaphore, #tpu.memory_space<semaphore_mem>>)
    %dma_start3A_22 = arith.constant 0 : i32
    %dma_start3A_23 = tpu.memref_slice %arg24[%dma_start3A_22] : memref<128xf32, #tpu.memory_space<vmem>> -> memref<100xf32, #tpu.memory_space<vmem>>
    %dma_start3A_24 = arith.constant 0 : i32
    %dma_start3A_25 = tpu.memref_slice %arg24[%dma_start3A_24] : memref<128xf32, #tpu.memory_space<vmem>> -> memref<100xf32, #tpu.memory_space<vmem>>
    tpu.enqueue_dma source(%arg11 : memref<100xf32, #tpu.memory_space<hbm>>) target(%dma_start3A_25 : memref<100xf32, #tpu.memory_space<vmem>>) target_semaphore(%arg31 : memref<!tpu.dma_semaphore, #tpu.memory_space<semaphore_mem>>)
    %dma_start3A_26 = arith.constant 0 : i32
    %dma_start3A_27 = tpu.memref_slice %arg25[%dma_start3A_26] : memref<1024xf32, #tpu.memory_space<vmem>> -> memref<1000xf32, #tpu.memory_space<vmem>>
    %dma_start3A_28 = arith.constant 0 : i32
    %dma_start3A_29 = tpu.memref_slice %arg25[%dma_start3A_28] : memref<1024xf32, #tpu.memory_space<vmem>> -> memref<1000xf32, #tpu.memory_space<vmem>>
    tpu.enqueue_dma source(%arg12 : memref<1000xf32, #tpu.memory_space<hbm>>) target(%dma_start3A_29 : memref<1000xf32, #tpu.memory_space<vmem>>) target_semaphore(%arg31 : memref<!tpu.dma_semaphore, #tpu.memory_space<semaphore_mem>>)
    %dma_wait3A = tpu.memref_slice %arg2[%mul3A_2] : memref<16384xi32, #tpu.memory_space<hbm>> -> memref<512xi32, #tpu.memory_space<hbm>>
    %dma_wait3A_30 = tpu.memref_slice %arg2[%mul3A_2] : memref<16384xi32, #tpu.memory_space<hbm>> -> memref<512xi32, #tpu.memory_space<hbm>>
    tpu.wait_dma2 semaphore(%arg30 : memref<!tpu.dma_semaphore, #tpu.memory_space<semaphore_mem>>) src(%dma_wait3A_30 : memref<512xi32, #tpu.memory_space<hbm>>) dst(%arg15 : memref<512xi32, #tpu.memory_space<vmem>>)
    %dma_wait3A_31 = tpu.memref_slice %arg3[%mul3A_2] : memref<16384xi32, #tpu.memory_space<hbm>> -> memref<512xi32, #tpu.memory_space<hbm>>
    %dma_wait3A_32 = tpu.memref_slice %arg3[%mul3A_2] : memref<16384xi32, #tpu.memory_space<hbm>> -> memref<512xi32, #tpu.memory_space<hbm>>
    tpu.wait_dma2 semaphore(%arg30 : memref<!tpu.dma_semaphore, #tpu.memory_space<semaphore_mem>>) src(%dma_wait3A_32 : memref<512xi32, #tpu.memory_space<hbm>>) dst(%arg16 : memref<512xi32, #tpu.memory_space<vmem>>)
    %dma_wait3A_33 = tpu.memref_slice %arg4[%mul3A_2] : memref<16384xi32, #tpu.memory_space<hbm>> -> memref<512xi32, #tpu.memory_space<hbm>>
    %dma_wait3A_34 = tpu.memref_slice %arg4[%mul3A_2] : memref<16384xi32, #tpu.memory_space<hbm>> -> memref<512xi32, #tpu.memory_space<hbm>>
    tpu.wait_dma2 semaphore(%arg30 : memref<!tpu.dma_semaphore, #tpu.memory_space<semaphore_mem>>) src(%dma_wait3A_34 : memref<512xi32, #tpu.memory_space<hbm>>) dst(%arg17 : memref<512xi32, #tpu.memory_space<vmem>>)
    %dma_wait3A_35 = tpu.memref_slice %arg5[%mul3A_2] : memref<16384xi32, #tpu.memory_space<hbm>> -> memref<512xi32, #tpu.memory_space<hbm>>
    %dma_wait3A_36 = tpu.memref_slice %arg5[%mul3A_2] : memref<16384xi32, #tpu.memory_space<hbm>> -> memref<512xi32, #tpu.memory_space<hbm>>
    tpu.wait_dma2 semaphore(%arg30 : memref<!tpu.dma_semaphore, #tpu.memory_space<semaphore_mem>>) src(%dma_wait3A_36 : memref<512xi32, #tpu.memory_space<hbm>>) dst(%arg18 : memref<512xi32, #tpu.memory_space<vmem>>)
    %scan3A = arith.constant 0 : i32
    %scan3A_37 = arith.constant 0 : i32
    %scan3A_38 = arith.constant 32 : i32
    %scan3A_39 = arith.addi %scan3A_37, %scan3A_38 : i32
    %scan3A_40 = arith.constant 1 : i32
    %scan3A_41 = scf.for %scan3A_82 = %scan3A_37 to %scan3A_39 step %scan3A_40 iter_args(%scan3A_83 = %scan3A) -> (i32)  : i32 {
      %mul3A_84 = arith.constant 16 : i32
      %mul3A_85 = arith.muli %scan3A_82, %mul3A_84 : i32
      %get3A = arith.index_cast %mul3A_85 : i32 to index
      %get3A_86 = tpu.vector_load %arg15[%get3A] {strides = array<i32>} : memref<512xi32, #tpu.memory_space<vmem>>, vector<16xi32>,
      %get3A_87 = arith.index_cast %mul3A_85 : i32 to index
      %get3A_88 = tpu.vector_load %arg16[%get3A_87] {strides = array<i32>} : memref<512xi32, #tpu.memory_space<vmem>>, vector<16xi32>,
      %get3A_89 = arith.index_cast %mul3A_85 : i32 to index
      %get3A_90 = tpu.vector_load %arg17[%get3A_89] {strides = array<i32>} : memref<512xi32, #tpu.memory_space<vmem>>, vector<16xi32>,
      %get3A_91 = arith.index_cast %mul3A_85 : i32 to index
      %get3A_92 = tpu.vector_load %arg18[%get3A_91] {strides = array<i32>} : memref<512xi32, #tpu.memory_space<vmem>>, vector<16xi32>,
      %shift_right_arithmetic3A = arith.constant 7 : i32
      %shift_right_arithmetic3A_93 = vector.broadcast %shift_right_arithmetic3A : i32 to vector<16xi32>
      %shift_right_arithmetic3A_94 = arith.shrsi %get3A_90, %shift_right_arithmetic3A_93 : vector<16xi32>
      %mul3A_95 = arith.constant 268800 : i32
      %mul3A_96 = vector.broadcast %mul3A_95 : i32 to vector<16xi32>
      %mul3A_97 = arith.muli %shift_right_arithmetic3A_94, %mul3A_96 : vector<16xi32>
      %mul3A_98 = arith.constant 128 : i32
      %mul3A_99 = vector.broadcast %mul3A_98 : i32 to vector<16xi32>
      %mul3A_100 = arith.muli %get3A_88, %mul3A_99 : vector<16xi32>
      %add3A_101 = arith.addi %mul3A_97, %mul3A_100 : vector<16xi32>
      %and3A = arith.constant 127 : i32
      %and3A_102 = vector.broadcast %and3A : i32 to vector<16xi32>
      %and3A_103 = arith.andi %get3A_90, %and3A_102 : vector<16xi32>
      %add3A_104 = arith.addi %add3A_101, %and3A_103 : vector<16xi32>
      %swap3A_105 = arith.index_cast %mul3A_85 : i32 to index
      %swap3A_106 = tpu.vector_load %arg26[%swap3A_105] {strides = array<i32>} : memref<1536xi32, #tpu.memory_space<vmem>>, vector<16xi32>,
      tpu.vector_store %arg26[%swap3A_105], %add3A_104 {strides = array<i32>} : memref<1536xi32, #tpu.memory_space<vmem>>, vector<16xi32>,
      %shift_right_arithmetic3A_107 = arith.constant 7 : i32
      %shift_right_arithmetic3A_108 = vector.broadcast %shift_right_arithmetic3A_107 : i32 to vector<16xi32>
      %shift_right_arithmetic3A_109 = arith.shrsi %get3A_92, %shift_right_arithmetic3A_108 : vector<16xi32>
      %mul3A_110 = arith.constant 268800 : i32
      %mul3A_111 = vector.broadcast %mul3A_110 : i32 to vector<16xi32>
      %mul3A_112 = arith.muli %shift_right_arithmetic3A_109, %mul3A_111 : vector<16xi32>
      %add3A_113 = arith.constant 1000 : i32
      %add3A_114 = vector.broadcast %add3A_113 : i32 to vector<16xi32>
      %add3A_115 = arith.addi %add3A_114, %get3A_90 : vector<16xi32>
      %mul3A_116 = arith.constant 128 : i32
      %mul3A_117 = vector.broadcast %mul3A_116 : i32 to vector<16xi32>
      %mul3A_118 = arith.muli %add3A_115, %mul3A_117 : vector<16xi32>
      %add3A_119 = arith.addi %mul3A_112, %mul3A_118 : vector<16xi32>
      %and3A_120 = arith.constant 127 : i32
      %and3A_121 = vector.broadcast %and3A_120 : i32 to vector<16xi32>
      %and3A_122 = arith.andi %get3A_92, %and3A_121 : vector<16xi32>
      %add3A_123 = arith.addi %add3A_119, %and3A_122 : vector<16xi32>
      %mul3A_124 = arith.constant 16 : i32
      %mul3A_125 = arith.muli %scan3A_82, %mul3A_124 : i32
      %add3A_126 = arith.constant 512 : i32
      %add3A_127 = arith.addi %add3A_126, %mul3A_125 : i32
      %swap3A_128 = arith.index_cast %add3A_127 : i32 to index
      %swap3A_129 = tpu.vector_load %arg26[%swap3A_128] {strides = array<i32>} : memref<1536xi32, #tpu.memory_space<vmem>>, vector<16xi32>,
      tpu.vector_store %arg26[%swap3A_128], %add3A_123 {strides = array<i32>} : memref<1536xi32, #tpu.memory_space<vmem>>, vector<16xi32>,
      %add3A_130 = arith.constant 2000 : i32
      %add3A_131 = vector.broadcast %add3A_130 : i32 to vector<16xi32>
      %add3A_132 = arith.addi %add3A_131, %get3A_86 : vector<16xi32>
      %mul3A_133 = arith.constant 128 : i32
      %mul3A_134 = vector.broadcast %mul3A_133 : i32 to vector<16xi32>
      %mul3A_135 = arith.muli %add3A_132, %mul3A_134 : vector<16xi32>
      %min3A = arith.constant 100 : i32
      %min3A_136 = vector.broadcast %min3A : i32 to vector<16xi32>
      %min3A_137 = arith.minsi %get3A_90, %min3A_136 : vector<16xi32>
      %add3A_138 = arith.addi %mul3A_135, %min3A_137 : vector<16xi32>
      %mul3A_139 = arith.constant 16 : i32
      %mul3A_140 = arith.muli %scan3A_82, %mul3A_139 : i32
      %add3A_141 = arith.constant 1024 : i32
      %add3A_142 = arith.addi %add3A_141, %mul3A_140 : i32
      %swap3A_143 = arith.index_cast %add3A_142 : i32 to index
      %swap3A_144 = tpu.vector_load %arg26[%swap3A_143] {strides = array<i32>} : memref<1536xi32, #tpu.memory_space<vmem>>, vector<16xi32>,
      tpu.vector_store %arg26[%swap3A_143], %add3A_138 {strides = array<i32>} : memref<1536xi32, #tpu.memory_space<vmem>>, vector<16xi32>,
      %scan3A_145 = arith.constant 0 : i32
      scf.yield %scan3A_145 : i32
    }
    %scan3A_42 = arith.constant 32 : i32
    %dma_start3A_43 = arith.constant 0 : i32
    %dma_start3A_44 = tpu.memref_slice %arg13[%dma_start3A_43] : memref<2150400xf32, #tpu.memory_space<hbm>> -> memref<2150400xf32, #tpu.memory_space<hbm>>
    tpu.enqueue_indirect_dma source(%dma_start3A_44 : memref<2150400xf32, #tpu.memory_space<hbm>>) target(%arg27 : memref<1536xf32, #tpu.memory_space<vmem>>) offsets(%arg26 : memref<1536xi32, #tpu.memory_space<vmem>>) semaphore(%arg32 : memref<!tpu.dma_semaphore, #tpu.memory_space<semaphore_mem>>)
    %dma_wait3A_45 = tpu.memref_slice %arg6[%mul3A_2] : memref<16384xf32, #tpu.memory_space<hbm>> -> memref<512xf32, #tpu.memory_space<hbm>>
    %dma_wait3A_46 = tpu.memref_slice %arg6[%mul3A_2] : memref<16384xf32, #tpu.memory_space<hbm>> -> memref<512xf32, #tpu.memory_space<hbm>>
    tpu.wait_dma2 semaphore(%arg31 : memref<!tpu.dma_semaphore, #tpu.memory_space<semaphore_mem>>) src(%dma_wait3A_46 : memref<512xf32, #tpu.memory_space<hbm>>) dst(%arg19 : memref<512xf32, #tpu.memory_space<vmem>>)
    %dma_wait3A_47 = tpu.memref_slice %arg7[%mul3A_2] : memref<16384xf32, #tpu.memory_space<hbm>> -> memref<512xf32, #tpu.memory_space<hbm>>
    %dma_wait3A_48 = tpu.memref_slice %arg7[%mul3A_2] : memref<16384xf32, #tpu.memory_space<hbm>> -> memref<512xf32, #tpu.memory_space<hbm>>
    tpu.wait_dma2 semaphore(%arg31 : memref<!tpu.dma_semaphore, #tpu.memory_space<semaphore_mem>>) src(%dma_wait3A_48 : memref<512xf32, #tpu.memory_space<hbm>>) dst(%arg20 : memref<512xf32, #tpu.memory_space<vmem>>)
    tpu.wait_dma2 semaphore(%arg31 : memref<!tpu.dma_semaphore, #tpu.memory_space<semaphore_mem>>) src(%arg8 : memref<16xf32, #tpu.memory_space<hbm>>) dst(%arg21 : memref<16xf32, #tpu.memory_space<vmem>>)
    %dma_wait3A_49 = arith.constant 0 : i32
    %dma_wait3A_50 = tpu.memref_slice %arg22[%dma_wait3A_49] : memref<1024xf32, #tpu.memory_space<vmem>> -> memref<1000xf32, #tpu.memory_space<vmem>>
    %dma_wait3A_51 = arith.constant 0 : i32
    %dma_wait3A_52 = tpu.memref_slice %arg22[%dma_wait3A_51] : memref<1024xf32, #tpu.memory_space<vmem>> -> memref<1000xf32, #tpu.memory_space<vmem>>
    tpu.wait_dma2 semaphore(%arg31 : memref<!tpu.dma_semaphore, #tpu.memory_space<semaphore_mem>>) src(%arg9 : memref<1000xf32, #tpu.memory_space<hbm>>) dst(%dma_wait3A_52 : memref<1000xf32, #tpu.memory_space<vmem>>)
    %dma_wait3A_53 = arith.constant 0 : i32
    %dma_wait3A_54 = tpu.memref_slice %arg23[%dma_wait3A_53] : memref<1024xf32, #tpu.memory_space<vmem>> -> memref<1000xf32, #tpu.memory_space<vmem>>
    %dma_wait3A_55 = arith.constant 0 : i32
    %dma_wait3A_56 = tpu.memref_slice %arg23[%dma_wait3A_55] : memref<1024xf32, #tpu.memory_space<vmem>> -> memref<1000xf32, #tpu.memory_space<vmem>>
    tpu.wait_dma2 semaphore(%arg31 : memref<!tpu.dma_semaphore, #tpu.memory_space<semaphore_mem>>) src(%arg10 : memref<1000xf32, #tpu.memory_space<hbm>>) dst(%dma_wait3A_56 : memref<1000xf32, #tpu.memory_space<vmem>>)
    %dma_wait3A_57 = arith.constant 0 : i32
    %dma_wait3A_58 = tpu.memref_slice %arg24[%dma_wait3A_57] : memref<128xf32, #tpu.memory_space<vmem>> -> memref<100xf32, #tpu.memory_space<vmem>>
    %dma_wait3A_59 = arith.constant 0 : i32
    %dma_wait3A_60 = tpu.memref_slice %arg24[%dma_wait3A_59] : memref<128xf32, #tpu.memory_space<vmem>> -> memref<100xf32, #tpu.memory_space<vmem>>
    tpu.wait_dma2 semaphore(%arg31 : memref<!tpu.dma_semaphore, #tpu.memory_space<semaphore_mem>>) src(%arg11 : memref<100xf32, #tpu.memory_space<hbm>>) dst(%dma_wait3A_60 : memref<100xf32, #tpu.memory_space<vmem>>)
    %dma_wait3A_61 = arith.constant 0 : i32
    %dma_wait3A_62 = tpu.memref_slice %arg25[%dma_wait3A_61] : memref<1024xf32, #tpu.memory_space<vmem>> -> memref<1000xf32, #tpu.memory_space<vmem>>
    %dma_wait3A_63 = arith.constant 0 : i32
    %dma_wait3A_64 = tpu.memref_slice %arg25[%dma_wait3A_63] : memref<1024xf32, #tpu.memory_space<vmem>> -> memref<1000xf32, #tpu.memory_space<vmem>>
    tpu.wait_dma2 semaphore(%arg31 : memref<!tpu.dma_semaphore, #tpu.memory_space<semaphore_mem>>) src(%arg12 : memref<1000xf32, #tpu.memory_space<hbm>>) dst(%dma_wait3A_64 : memref<1000xf32, #tpu.memory_space<vmem>>)
    %scan3A_65 = arith.constant 0 : i32
    %scan3A_66 = arith.constant 0 : i32
    %scan3A_67 = arith.constant 32 : i32
    %scan3A_68 = arith.addi %scan3A_66, %scan3A_67 : i32
    %scan3A_69 = arith.constant 1 : i32
    %scan3A_70 = scf.for %scan3A_82 = %scan3A_66 to %scan3A_68 step %scan3A_69 iter_args(%scan3A_83 = %scan3A_65) -> (i32)  : i32 {
      %mul3A_84 = arith.constant 16 : i32
      %mul3A_85 = arith.muli %scan3A_82, %mul3A_84 : i32
      %get3A = arith.index_cast %mul3A_85 : i32 to index
      %get3A_86 = tpu.vector_load %arg15[%get3A] {strides = array<i32>} : memref<512xi32, #tpu.memory_space<vmem>>, vector<16xi32>,
      %get3A_87 = arith.index_cast %mul3A_85 : i32 to index
      %get3A_88 = tpu.vector_load %arg16[%get3A_87] {strides = array<i32>} : memref<512xi32, #tpu.memory_space<vmem>>, vector<16xi32>,
      %get3A_89 = arith.index_cast %mul3A_85 : i32 to index
      %get3A_90 = tpu.vector_load %arg17[%get3A_89] {strides = array<i32>} : memref<512xi32, #tpu.memory_space<vmem>>, vector<16xi32>,
      %get3A_91 = arith.constant 0 : index
      %get3A_92 = tpu.vector_load %arg21[%get3A_91] {strides = array<i32>} : memref<16xf32, #tpu.memory_space<vmem>>, vector<16xf32>,
      %get3A_93 = arith.index_cast %mul3A_85 : i32 to index
      %get3A_94 = tpu.vector_load %arg20[%get3A_93] {strides = array<i32>} : memref<512xf32, #tpu.memory_space<vmem>>, vector<16xf32>,
      %sub3A = arith.subf %get3A_92, %get3A_94 : vector<16xf32>
      %gather3A = tpu.vector_load_idx %arg23[%get3A_90] : memref<1024xf32, #tpu.memory_space<vmem>>[vector<16xi32>], vector<16xf32>,
      %add3A_95 = arith.addf %sub3A, %gather3A : vector<16xf32>
      %gather3A_96 = tpu.vector_load_idx %arg24[%get3A_86] : memref<128xf32, #tpu.memory_space<vmem>>[vector<16xi32>], vector<16xf32>,
      %add3A_97 = arith.addf %add3A_95, %gather3A_96 : vector<16xf32>
      %gather3A_98 = tpu.vector_load_idx %arg25[%get3A_88] : memref<1024xf32, #tpu.memory_space<vmem>>[vector<16xi32>], vector<16xf32>,
      %get3A_99 = arith.index_cast %mul3A_85 : i32 to index
      %get3A_100 = tpu.vector_load %arg19[%get3A_99] {strides = array<i32>} : memref<512xf32, #tpu.memory_space<vmem>>, vector<16xf32>,
      %mul3A_101 = arith.mulf %gather3A_98, %get3A_100 : vector<16xf32>
      %add3A_102 = arith.addf %add3A_97, %mul3A_101 : vector<16xf32>
      %gather3A_103 = tpu.vector_load_idx %arg22[%get3A_88] : memref<1024xf32, #tpu.memory_space<vmem>>[vector<16xi32>], vector<16xf32>,
      %add3A_104 = arith.addf %add3A_102, %gather3A_103 : vector<16xf32>
      %swap3A_105 = arith.index_cast %mul3A_85 : i32 to index
      %swap3A_106 = tpu.vector_load %arg28[%swap3A_105] {strides = array<i32>} : memref<512xf32, #tpu.memory_space<vmem>>, vector<16xf32>,
      tpu.vector_store %arg28[%swap3A_105], %add3A_104 {strides = array<i32>} : memref<512xf32, #tpu.memory_space<vmem>>, vector<16xf32>,
      %scan3A_107 = arith.constant 0 : i32
      scf.yield %scan3A_107 : i32
    }
    %scan3A_71 = arith.constant 32 : i32
    %dma_wait3A_72 = arith.constant 0 : i32
    %dma_wait3A_73 = tpu.memref_slice %arg13[%dma_wait3A_72] : memref<2150400xf32, #tpu.memory_space<hbm>> -> memref<2150400xf32, #tpu.memory_space<hbm>>
    tpu.wait_indirect_dma semaphore(%arg32 : memref<!tpu.dma_semaphore, #tpu.memory_space<semaphore_mem>>) src(%dma_wait3A_73 : memref<2150400xf32, #tpu.memory_space<hbm>>) dst(%arg27 : memref<1536xf32, #tpu.memory_space<vmem>>)
    %broadcast_in_dim3A = arith.constant 0.000000e+00 : f32
    %broadcast_in_dim3A_74 = vector.broadcast %broadcast_in_dim3A : f32 to vector<16xf32>
    %scan3A_75 = arith.constant 0 : i32
    %scan3A_76 = arith.constant 32 : i32
    %scan3A_77 = arith.addi %scan3A_75, %scan3A_76 : i32
    %scan3A_78 = arith.constant 1 : i32
    %scan3A_79 = scf.for %scan3A_82 = %scan3A_75 to %scan3A_77 step %scan3A_78 iter_args(%scan3A_83 = %broadcast_in_dim3A_74) -> (vector<16xf32>)  : i32 {
      %mul3A_84 = arith.constant 16 : i32
      %mul3A_85 = arith.muli %scan3A_82, %mul3A_84 : i32
      %get3A = arith.index_cast %mul3A_85 : i32 to index
      %get3A_86 = tpu.vector_load %arg28[%get3A] {strides = array<i32>} : memref<512xf32, #tpu.memory_space<vmem>>, vector<16xf32>,
      %get3A_87 = arith.index_cast %mul3A_85 : i32 to index
      %get3A_88 = tpu.vector_load %arg27[%get3A_87] {strides = array<i32>} : memref<1536xf32, #tpu.memory_space<vmem>>, vector<16xf32>,
      %add3A_89 = arith.addf %get3A_86, %get3A_88 : vector<16xf32>
      %mul3A_90 = arith.constant 16 : i32
      %mul3A_91 = arith.muli %scan3A_82, %mul3A_90 : i32
      %add3A_92 = arith.constant 512 : i32
      %add3A_93 = arith.addi %add3A_92, %mul3A_91 : i32
      %get3A_94 = arith.index_cast %add3A_93 : i32 to index
      %get3A_95 = tpu.vector_load %arg27[%get3A_94] {strides = array<i32>} : memref<1536xf32, #tpu.memory_space<vmem>>, vector<16xf32>,
      %add3A_96 = arith.addf %add3A_89, %get3A_95 : vector<16xf32>
      %mul3A_97 = arith.constant 16 : i32
      %mul3A_98 = arith.muli %scan3A_82, %mul3A_97 : i32
      %add3A_99 = arith.constant 1024 : i32
      %add3A_100 = arith.addi %add3A_99, %mul3A_98 : i32
      %get3A_101 = arith.index_cast %add3A_100 : i32 to index
      %get3A_102 = tpu.vector_load %arg27[%get3A_101] {strides = array<i32>} : memref<1536xf32, #tpu.memory_space<vmem>>, vector<16xf32>,
      %add3A_103 = arith.addf %add3A_96, %get3A_102 : vector<16xf32>
      %mul3A_104 = arith.mulf %add3A_103, %add3A_103 : vector<16xf32>
      %add3A_105 = arith.addf %scan3A_83, %mul3A_104 : vector<16xf32>
      scf.yield %add3A_105 : vector<16xf32>
    }
    %scan3A_80 = arith.constant 32 : i32
    %swap3A = arith.constant 0 : index
    %swap3A_81 = tpu.vector_load %arg29[%swap3A] {strides = array<i32>} : memref<16xf32, #tpu.memory_space<vmem>>, vector<16xf32>,
    tpu.vector_store %arg29[%swap3A], %scan3A_79 {strides = array<i32>} : memref<16xf32, #tpu.memory_space<vmem>>, vector<16xf32>,
    "tpu.region"() ({
      %run_scoped3A = tpu.sem_alloc : memref<!tpu.dma_semaphore, #tpu.memory_space<semaphore_mem>>
      %dma_start3A_82 = arith.constant 0 : i32
      %dma_start3A_83 = tpu.memref_slice %arg14[%add3A, %dma_start3A_82] : memref<32x16xf32, #tpu.memory_space<hbm>> -> memref<1x16xf32, #tpu.memory_space<hbm>>
      %dma_start3A_84 = tpu.memref_squeeze %dma_start3A_83 : memref<1x16xf32, #tpu.memory_space<hbm>> -> memref<16xf32, #tpu.memory_space<hbm>>
      %dma_start3A_85 = arith.constant 0 : i32
      %dma_start3A_86 = tpu.memref_slice %arg14[%add3A, %dma_start3A_85] : memref<32x16xf32, #tpu.memory_space<hbm>> -> memref<1x16xf32, #tpu.memory_space<hbm>>
      %dma_start3A_87 = tpu.memref_squeeze %dma_start3A_86 : memref<1x16xf32, #tpu.memory_space<hbm>> -> memref<16xf32, #tpu.memory_space<hbm>>
      tpu.enqueue_dma source(%arg29 : memref<16xf32, #tpu.memory_space<vmem>>) target(%dma_start3A_87 : memref<16xf32, #tpu.memory_space<hbm>>) target_semaphore(%run_scoped3A : memref<!tpu.dma_semaphore, #tpu.memory_space<semaphore_mem>>)
      %dma_wait3A_88 = arith.constant 0 : i32
      %dma_wait3A_89 = tpu.memref_slice %arg14[%add3A, %dma_wait3A_88] : memref<32x16xf32, #tpu.memory_space<hbm>> -> memref<1x16xf32, #tpu.memory_space<hbm>>
      %dma_wait3A_90 = tpu.memref_squeeze %dma_wait3A_89 : memref<1x16xf32, #tpu.memory_space<hbm>> -> memref<16xf32, #tpu.memory_space<hbm>>
      %dma_wait3A_91 = arith.constant 0 : i32
      %dma_wait3A_92 = tpu.memref_slice %arg14[%add3A, %dma_wait3A_91] : memref<32x16xf32, #tpu.memory_space<hbm>> -> memref<1x16xf32, #tpu.memory_space<hbm>>
      %dma_wait3A_93 = tpu.memref_squeeze %dma_wait3A_92 : memref<1x16xf32, #tpu.memory_space<hbm>> -> memref<16xf32, #tpu.memory_space<hbm>>
      tpu.wait_dma2 semaphore(%run_scoped3A : memref<!tpu.dma_semaphore, #tpu.memory_space<semaphore_mem>>) src(%arg29 : memref<16xf32, #tpu.memory_space<vmem>>) dst(%dma_wait3A_93 : memref<16xf32, #tpu.memory_space<hbm>>)
      tpu.yield
    }) : () -> ()
    return
  }
}

module attributes {stable_mosaic.version = 14 : i64} {
  func.func @_tables_body(%arg0: i32, %arg1: memref<64x1000xf32, #tpu.memory_space<vmem>>, %arg2: memref<64x256xf32, #tpu.memory_space<vmem>>, %arg3: memref<64x1000xf32, #tpu.memory_space<vmem>>, %arg4: memref<64x256xf32, #tpu.memory_space<vmem>>, %arg5: memref<64x100xf32, #tpu.memory_space<vmem>>, %arg6: memref<64x100xf32, #tpu.memory_space<vmem>>, %arg7: memref<2x2100x1x128xf32, #tpu.memory_space<vmem>>) attributes {dimension_semantics = [#tpu.dimension_semantics<arbitrary>], iteration_bounds = array<i64: 4>, scalar_prefetch = 0 : i64, scratch_operands = 0 : i64, tpu.core_type = #tpu.core_type<tc>, window_params = [{pipeline_mode = #tpu.pipeline_mode<synchronous>, transform_indices = @transform_0, window_bounds = array<i64: 64, 1000>}, {transform_indices = @transform_1, window_bounds = array<i64: 64, 256>}, {pipeline_mode = #tpu.pipeline_mode<synchronous>, transform_indices = @transform_2, window_bounds = array<i64: 64, 1000>}, {transform_indices = @transform_3, window_bounds = array<i64: 64, 256>}, {pipeline_mode = #tpu.pipeline_mode<synchronous>, transform_indices = @transform_4, window_bounds = array<i64: 64, 100>}, {pipeline_mode = #tpu.pipeline_mode<synchronous>, transform_indices = @transform_5, window_bounds = array<i64: 64, 100>}, {transform_indices = @transform_6, window_bounds = array<i64: 2, 2100, 1, 128>}]} {
    %get3A = arith.constant 0 : index
    %get3A_0 = arith.constant 0 : index
    %get3A_1 = vector.load %arg1[%get3A, %get3A_0] : memref<64x1000xf32, #tpu.memory_space<vmem>>, vector<64x1000xf32>
    %get3A_2 = arith.constant 0 : index
    %get3A_3 = arith.constant 0 : index
    %get3A_4 = vector.load %arg2[%get3A_2, %get3A_3] : memref<64x256xf32, #tpu.memory_space<vmem>>, vector<64x256xf32>
    %dot_general3A = arith.constant dense<0.000000e+00> : vector<1000x256xf32>
    %dot_general3A_5 = tpu.matmul %get3A_1, %get3A_4, %dot_general3A {dimension_numbers = #tpu.dot_dimension_numbers<[0], [0], [1], [1], [0, 1, 1, 1], [], []>, transpose_lhs_hint = false} : vector<64x1000xf32>, vector<64x256xf32>, vector<1000x256xf32> -> vector<1000x256xf32>
    %get3A_6 = arith.constant 0 : index
    %get3A_7 = arith.constant 0 : index
    %get3A_8 = vector.load %arg3[%get3A_6, %get3A_7] : memref<64x1000xf32, #tpu.memory_space<vmem>>, vector<64x1000xf32>
    %get3A_9 = arith.constant 0 : index
    %get3A_10 = arith.constant 0 : index
    %get3A_11 = vector.load %arg4[%get3A_9, %get3A_10] : memref<64x256xf32, #tpu.memory_space<vmem>>, vector<64x256xf32>
    %dot_general3A_12 = arith.constant dense<0.000000e+00> : vector<1000x256xf32>
    %dot_general3A_13 = tpu.matmul %get3A_8, %get3A_11, %dot_general3A_12 {dimension_numbers = #tpu.dot_dimension_numbers<[0], [0], [1], [1], [0, 1, 1, 1], [], []>, transpose_lhs_hint = false} : vector<64x1000xf32>, vector<64x256xf32>, vector<1000x256xf32> -> vector<1000x256xf32>
    %slice3A = vector.extract_strided_slice %dot_general3A_5 {offsets = [0, 0], sizes = [1000, 128], strides = [1, 1]} : vector<1000x256xf32> to vector<1000x128xf32>
    %swap3A = arith.constant 0 : index
    %swap3A_14 = arith.constant 0 : index
    %swap3A_15 = arith.constant 0 : index
    %swap3A_16 = arith.constant 0 : index
    %swap3A_17 = vector.load %arg7[%swap3A, %swap3A_14, %swap3A_15, %swap3A_16] : memref<2x2100x1x128xf32, #tpu.memory_space<vmem>>, vector<1x1000x1x128xf32>
    %swap3A_18 = vector.shape_cast %swap3A_17 : vector<1x1000x1x128xf32> to vector<1000x128xf32>
    %swap3A_19 = vector.shape_cast %slice3A : vector<1000x128xf32> to vector<1x1000x1x128xf32>
    tpu.vector_store %arg7[%swap3A, %swap3A_14, %swap3A_15, %swap3A_16], %swap3A_19 {strides = array<i32>} : memref<2x2100x1x128xf32, #tpu.memory_space<vmem>>, vector<1x1000x1x128xf32>,
    %slice3A_20 = vector.extract_strided_slice %dot_general3A_13 {offsets = [0, 0], sizes = [1000, 128], strides = [1, 1]} : vector<1000x256xf32> to vector<1000x128xf32>
    %swap3A_21 = arith.constant 0 : index
    %swap3A_22 = arith.constant 1000 : index
    %swap3A_23 = arith.constant 0 : index
    %swap3A_24 = arith.constant 0 : index
    %swap3A_25 = vector.load %arg7[%swap3A_21, %swap3A_22, %swap3A_23, %swap3A_24] : memref<2x2100x1x128xf32, #tpu.memory_space<vmem>>, vector<1x1000x1x128xf32>
    %swap3A_26 = vector.shape_cast %swap3A_25 : vector<1x1000x1x128xf32> to vector<1000x128xf32>
    %swap3A_27 = vector.shape_cast %slice3A_20 : vector<1000x128xf32> to vector<1x1000x1x128xf32>
    tpu.vector_store %arg7[%swap3A_21, %swap3A_22, %swap3A_23, %swap3A_24], %swap3A_27 {strides = array<i32>} : memref<2x2100x1x128xf32, #tpu.memory_space<vmem>>, vector<1x1000x1x128xf32>,
    %slice3A_28 = vector.extract_strided_slice %dot_general3A_5 {offsets = [0, 128], sizes = [1000, 128], strides = [1, 1]} : vector<1000x256xf32> to vector<1000x128xf32>
    %swap3A_29 = arith.constant 1 : index
    %swap3A_30 = arith.constant 0 : index
    %swap3A_31 = arith.constant 0 : index
    %swap3A_32 = arith.constant 0 : index
    %swap3A_33 = vector.load %arg7[%swap3A_29, %swap3A_30, %swap3A_31, %swap3A_32] : memref<2x2100x1x128xf32, #tpu.memory_space<vmem>>, vector<1x1000x1x128xf32>
    %swap3A_34 = vector.shape_cast %swap3A_33 : vector<1x1000x1x128xf32> to vector<1000x128xf32>
    %swap3A_35 = vector.shape_cast %slice3A_28 : vector<1000x128xf32> to vector<1x1000x1x128xf32>
    tpu.vector_store %arg7[%swap3A_29, %swap3A_30, %swap3A_31, %swap3A_32], %swap3A_35 {strides = array<i32>} : memref<2x2100x1x128xf32, #tpu.memory_space<vmem>>, vector<1x1000x1x128xf32>,
    %slice3A_36 = vector.extract_strided_slice %dot_general3A_13 {offsets = [0, 128], sizes = [1000, 128], strides = [1, 1]} : vector<1000x256xf32> to vector<1000x128xf32>
    %swap3A_37 = arith.constant 1 : index
    %swap3A_38 = arith.constant 1000 : index
    %swap3A_39 = arith.constant 0 : index
    %swap3A_40 = arith.constant 0 : index
    %swap3A_41 = vector.load %arg7[%swap3A_37, %swap3A_38, %swap3A_39, %swap3A_40] : memref<2x2100x1x128xf32, #tpu.memory_space<vmem>>, vector<1x1000x1x128xf32>
    %swap3A_42 = vector.shape_cast %swap3A_41 : vector<1x1000x1x128xf32> to vector<1000x128xf32>
    %swap3A_43 = vector.shape_cast %slice3A_36 : vector<1000x128xf32> to vector<1x1000x1x128xf32>
    tpu.vector_store %arg7[%swap3A_37, %swap3A_38, %swap3A_39, %swap3A_40], %swap3A_43 {strides = array<i32>} : memref<2x2100x1x128xf32, #tpu.memory_space<vmem>>, vector<1x1000x1x128xf32>,
    %eq3A = arith.constant 0 : i32
    %eq3A_44 = arith.cmpi eq, %arg0, %eq3A : i32
    %convert_element_type3A = arith.extui %eq3A_44 : i1 to i32
    %cond3A = arith.constant 0 : i32
    %cond3A_45 = arith.cmpi ne, %convert_element_type3A, %cond3A : i32
    scf.if %cond3A_45 {
      %get3A_46 = arith.constant 0 : index
      %get3A_47 = arith.constant 0 : index
      %get3A_48 = vector.load %arg6[%get3A_46, %get3A_47] : memref<64x100xf32, #tpu.memory_space<vmem>>, vector<64x100xf32>
      %broadcast_in_dim3A = arith.constant 0x7FC00000 : f32
      %broadcast_in_dim3A_49 = vector.broadcast %broadcast_in_dim3A : f32 to vector<64x28xf32>
      %concatenate3A = tpu.concatenate %get3A_48, %broadcast_in_dim3A_49 in 1 : vector<64x100xf32>, vector<64x28xf32> -> vector<64x128xf32>
      %get3A_50 = arith.constant 0 : index
      %get3A_51 = arith.constant 0 : index
      %get3A_52 = vector.load %arg5[%get3A_50, %get3A_51] : memref<64x100xf32, #tpu.memory_space<vmem>>, vector<64x100xf32>
      %dot_general3A_53 = arith.constant dense<0.000000e+00> : vector<100x128xf32>
      %dot_general3A_54 = tpu.matmul %get3A_52, %concatenate3A, %dot_general3A_53 {dimension_numbers = #tpu.dot_dimension_numbers<[0], [0], [1], [1], [0, 1, 1, 1], [], []>, transpose_lhs_hint = false} : vector<64x100xf32>, vector<64x128xf32>, vector<100x128xf32> -> vector<100x128xf32>
      %swap3A_55 = arith.constant 0 : index
      %swap3A_56 = arith.constant 2000 : index
      %swap3A_57 = arith.constant 0 : index
      %swap3A_58 = arith.constant 0 : index
      %swap3A_59 = vector.load %arg7[%swap3A_55, %swap3A_56, %swap3A_57, %swap3A_58] : memref<2x2100x1x128xf32, #tpu.memory_space<vmem>>, vector<1x100x1x128xf32>
      %swap3A_60 = vector.shape_cast %swap3A_59 : vector<1x100x1x128xf32> to vector<100x128xf32>
      %swap3A_61 = vector.shape_cast %dot_general3A_54 : vector<100x128xf32> to vector<1x100x1x128xf32>
      tpu.vector_store %arg7[%swap3A_55, %swap3A_56, %swap3A_57, %swap3A_58], %swap3A_61 {strides = array<i32>} : memref<2x2100x1x128xf32, #tpu.memory_space<vmem>>, vector<1x100x1x128xf32>,
    } else {
    }
    return
  }
  func.func @transform_0(%arg0: i32) -> (i32, i32) {
    %c0_i32 = arith.constant 0 : i32
    %c0_i32_0 = arith.constant 0 : i32
    %c0_i32_1 = arith.constant 0 : i32
    return %c0_i32, %c0_i32_0 : i32, i32
  }
  func.func @transform_1(%arg0: i32) -> (i32, i32) {
    %c0_i32 = arith.constant 0 : i32
    %c0_i32_0 = arith.constant 0 : i32
    return %c0_i32, %arg0 : i32, i32
  }
  func.func @transform_2(%arg0: i32) -> (i32, i32) {
    %c0_i32 = arith.constant 0 : i32
    %c0_i32_0 = arith.constant 0 : i32
    %c0_i32_1 = arith.constant 0 : i32
    return %c0_i32, %c0_i32_0 : i32, i32
  }
  func.func @transform_3(%arg0: i32) -> (i32, i32) {
    %c0_i32 = arith.constant 0 : i32
    %c0_i32_0 = arith.constant 0 : i32
    return %c0_i32, %arg0 : i32, i32
  }
  func.func @transform_4(%arg0: i32) -> (i32, i32) {
    %c0_i32 = arith.constant 0 : i32
    %c0_i32_0 = arith.constant 0 : i32
    %c0_i32_1 = arith.constant 0 : i32
    return %c0_i32, %c0_i32_0 : i32, i32
  }
  func.func @transform_5(%arg0: i32) -> (i32, i32) {
    %c0_i32 = arith.constant 0 : i32
    %c0_i32_0 = arith.constant 0 : i32
    %c0_i32_1 = arith.constant 0 : i32
    return %c0_i32, %c0_i32_0 : i32, i32
  }
  func.func @transform_6(%arg0: i32) -> (i32, i32, i32, i32) {
    %c0_i32 = arith.constant 0 : i32
    %c0_i32_0 = arith.constant 0 : i32
    %c0_i32_1 = arith.constant 0 : i32
    %c0_i32_2 = arith.constant 0 : i32
    return %arg0, %c0_i32, %c0_i32_0, %c0_i32_1 : i32, i32, i32, i32
  }
}

</mosaic_0001>

<sc_bundles>
// kernel: kernel.4.cloned.1.call-start
scs
__scs_entry_jumppad:
0x0: {  	(pc) =	sbr.rel $0x88, $3  }
0x1: {  	(tag) =	ssettag $0x0;
	lr =	simm.s32 $0x1  }
0x2: {  	[smem:$0x3F90] =	sst lr;
	_ =	strace $0xD0000000  }
0x3: {  	_ = 	snop  }
0x4: {  	_ = 	snop  }
0x5: {  	_ = 	snop  }
0x6: {  	_ = 	snop  }
0x7: {  	_ = 	snop  }
__scs_overlays_trampoline_lowered:
0x8: {  	[smem:$0x3F9F] =	sst s0  }
0x9: {  	[smem:$0x3FA0] =	sst s1  }
0xa: {  	[smem:$0x3FA1] =	sst s2  }
0xb: {  	[smem:$0x3FA2] =	sst s3  }
0xc: {  	[smem:$0x3FA3] =	sst s4  }
0xd: {  	[smem:$0x3FA4] =	sst s5  }
0xe: {  	[smem:$0x3FA5] =	sst s6  }
0xf: {  	[smem:$0x3FA6] =	sst s7  }
0x10: {  	[smem:$0x3FA7] =	sst s8  }
0x11: {  	[smem:$0x3FA8] =	sst s9;
	s0 =	simm.s32 @!p0 $0x0  }
0x12: {  	s1 =	sld [smem:$0x3F8E];
	s0 =	simm.s32 @p0 $0x1  }
0x13: {  	[smem:$0x3FA9] =	sst s0;
	s0 =	simm.s32 @!p1 $0x0  }
0x14: {  	s2 =	sld [smem:$0x3F8D];
	s0 =	simm.s32 @p1 $0x1  }
0x15: {  	[smem:$0x3FAA] =	sst s0;
	s0 =	simm.s32 @!p2 $0x0  }
0x16: {  	s3 =	sld [smem:$0x3FDB];
	s0 =	simm.s32 @p2 $0x1  }
0x17: {  	s4 =	simm.s32 $0x1BF5;
	[smem:$0x3FAC] =	sst s0  }
0x18: {  	s0 =	sld [smem:$0x3F8F];
	_ =	swait.ge [sflag:s4], $0x0  }
0x19: {  	s7 =	sld [smem:$0x3F90]  }
0x1a: {  	s8 =	sadd.s32 $0xFFFFE003, lr  }
0x1b: {  	s9 =	sadd.s32 $0xFFFFFEF7, lr;
	s5 =	simm.s32 $0xFFFFFFFF;
	p2 =	slt.u32 s8, $0xFFFFF086  }
0x1c: {  	p1 =	slt.u32 s9, $0xF7A;
	s5 =	simm.s32 @!p2 $0x0  }
0x1d: {  	s5 =	simm.s32 @p1 $0x1;
	p0 =	seq.s32 s7, s2  }
0x1e: {  	s7 =	smul.u32 @!p0 $0xF7A, s2;
	p2 =	seq.s32 @!p0 s5, $0x0  }
0x1f: {  	s9 =	smul.u32 $0xF7A, s1;
	s8 =	simm.s32 @!p0 $0x1BF5;
	p2 =	por !p2, p0  }
0x20: {  	[sflag:s8] =	ssyncset.s32 @!p0 $0xFFFFF086;
	s6 =	sadd.s32 @!p0 s3, s7;
	s7 =	simm.s32 @!p0 $0x108  }
0x21: {  	s3 =	sadd.s32 s3, s9;
	s6 =	sadd.s32 @!p0 $0x88, s6;
	s7 =	simm.s32 @p2 $0x1082  }
0x22: {  	[simem:s7], [sflag:s8] =	dma.local @!p0 [hbm:s6], $0xF7A  }
0x23: {  	s9 =	sor.u32 $0xD0000000, s2;
	s6 =	simm.s32 $0x108;
	_ =	swait.ge @!p0 [sflag:s8], $0x0  }
0x24: {  	s3 =	sadd.s32 $0x88, s3;
	s6 =	simm.s32 @!p1 $0x1082;
	[sflag:s4] =	ssyncset.s32 $0xFFFFF086  }
0x25: {  	[simem:s6], [sflag:s4] =	dma.local [hbm:s3], $0xF7A  }
0x26: {  	[smem:$0x3F90] =	sst s1;
	(tag) =	ssettag s2;
	_ =	strace s9  }
0x27: {  	s1 =	sld [smem:$0x3FA0]  }
0x28: {  	s2 =	sld [smem:$0x3FA1]  }
0x29: {  	s4 =	sld [smem:$0x3FA3]  }
0x2a: {  	p0 =	seq.s32 s5, $0x0;
	s5 =	sld [smem:$0x3FA4]  }
0x2b: {  	s6 =	sld [smem:$0x3FA5]  }
0x2c: {  	s7 =	sld [smem:$0x3FA6]  }
0x2d: {  	s3 =	simm.s32 $0x108;
	s8 =	sld [smem:$0x3FA7]  }
0x2e: {  	s3 =	simm.s32 @!p0 $0x1082;
	s9 =	sld [smem:$0x3FA8]  }
0x2f: {  	lr =	sadd.s32 s0, s3;
	s0 =	sld [smem:$0x3F9F]  }
0x30: {  	s3 =	sld [smem:$0x3FA2]  }
0x31: {  	[smem:$0x3FAB] =	sst s10  }
0x32: {  	s10 =	sld [smem:$0x3FA9];
	_ =	sdelay $0x3  }
0x33: {  	p0 =	seq.s32 s10, $0x1;
	s10 =	sld [smem:$0x3FAB];
	_ =	sdelay $0x3  }
0x34: {  	[smem:$0x3FAB] =	sst s10  }
0x35: {  	s10 =	sld [smem:$0x3FAA];
	_ =	sdelay $0x3  }
0x36: {  	p1 =	seq.s32 s10, $0x1;
	s10 =	sld [smem:$0x3FAB];
	_ =	sdelay $0x3  }
0x37: {  	[smem:$0x3FAB] =	sst s10  }
0x38: {  	s10 =	sld [smem:$0x3FAC]  }
0x39: {  	_ = 	snop;
	(pc) =	sbr.ind lr, $3  }
0x3a: {  	_ = 	snop  }
0x3b: {  	_ = 	snop  }
0x3c: {  	p2 =	seq.s32 s10, $0x1;
	s10 =	sld [smem:$0x3FAB]  }
0x3d: {  	_ =	shalt  }
0x3e: {  	_ =	shalt  }
0x3f: {  	_ =	shalt  }
0x40: {  	_ =	shalt  }
0x41: {  	_ =	shalt  }
0x42: {  	_ =	shalt  }
0x43: {  	_ =	shalt  }
0x44: {  	_ =	shalt  }
0x45: {  	_ =	shalt  }
0x46: {  	_ =	shalt  }
0x47: {  	_ =	shalt  }
0x48: {  	_ =	shalt  }
0x49: {  	_ =	shalt  }
0x4a: {  	_ =	shalt  }
0x4b: {  	_ =	shalt  }
0x4c: {  	_ =	shalt  }
0x4d: {  	_ =	shalt  }
0x4e: {  	_ =	shalt  }
0x4f: {  	_ =	shalt  }
0x50: {  	_ =	shalt  }
0x51: {  	_ =	shalt  }
0x52: {  	_ =	shalt  }
0x53: {  	_ =	shalt  }
0x54: {  	_ =	shalt  }
0x55: {  	_ =	shalt  }
0x56: {  	_ =	shalt  }
0x57: {  	_ =	shalt  }
0x58: {  	_ =	shalt  }
0x59: {  	_ =	shalt  }
0x5a: {  	_ =	shalt  }
0x5b: {  	_ =	shalt  }
0x5c: {  	_ =	shalt  }
0x5d: {  	_ =	shalt  }
0x5e: {  	_ =	shalt  }
0x5f: {  	_ =	shalt  }
0x60: {  	_ =	shalt  }
0x61: {  	_ =	shalt  }
0x62: {  	_ =	shalt  }
0x63: {  	_ =	shalt  }
0x64: {  	_ =	shalt  }
0x65: {  	_ =	shalt  }
0x66: {  	_ =	shalt  }
0x67: {  	_ =	shalt  }
0x68: {  	_ =	shalt  }
0x69: {  	_ =	shalt  }
0x6a: {  	_ =	shalt  }
0x6b: {  	_ =	shalt  }
0x6c: {  	_ =	shalt  }
0x6d: {  	_ =	shalt  }
0x6e: {  	_ =	shalt  }
0x6f: {  	_ =	shalt  }
0x70: {  	_ =	shalt  }
0x71: {  	_ =	shalt  }
0x72: {  	_ =	shalt  }
0x73: {  	_ =	shalt  }
0x74: {  	_ =	shalt  }
0x75: {  	_ =	shalt  }
0x76: {  	_ =	shalt  }
0x77: {  	_ =	shalt  }
0x78: {  	_ =	shalt  }
0x79: {  	_ =	shalt  }
0x7a: {  	_ =	shalt  }
0x7b: {  	_ =	shalt  }
0x7c: {  	_ =	shalt  }
0x7d: {  	_ =	shalt  }
0x7e: {  	_ =	shalt  }
0x7f: {  	_ =	shalt  }
0x80: {  	_ =	shalt  }
0x81: {  	_ =	shalt  }
0x82: {  	_ =	shalt  }
0x83: {  	_ =	shalt  }
0x84: {  	_ =	shalt  }
0x85: {  	_ =	shalt  }
0x86: {  	_ =	shalt  }
0x87: {  	_ =	shalt  }
.Lfunc_end0:
.L_simem_size_0:
called_computation_lowered:
.L_overlay_start_0:
0x88: {  	s2 =	sld [smem:$0x3FD9]  }
0x89: {  	s3 =	sld [smem:$0x3FFE];
	_ =	sdelay $0x1  }
0x8a: {  	s1 =	srdreg.scid  }
0x8b: {  	s0 =	sand.u32 $0x1, s1  }
0x8c: {  	s17 =	sshll.u32 s0, $0xA;
	s2 =	sadd.s32 s3, s2  }
0x8d: {  	s2 =	sadd.s32 s2, s17  }
0x8e: {  	[smem:$0x3FB7] =	sst s2  }
0x8f: {  	_ = 	snop  }
0x90: {  	s2 =	sld [smem:$0x3FC9]  }
0x91: {  	s18 =	sld [smem:$0x3FC8]  }
0x92: {  	s4 =	sld [smem:$0x3FC7]  }
0x93: {  	s5 =	sld [smem:$0x3FC6]  }
0x94: {  	s6 =	sld [smem:$0x3FC5]  }
0x95: {  	s7 =	sld [smem:$0x3FC4]  }
0x96: {  	s8 =	sld [smem:$0x3FC2]  }
0x97: {  	s9 =	sld [smem:$0x3FC1]  }
0x98: {  	s10 =	sld [smem:$0x3FC0]  }
0x99: {  	s11 =	sld [smem:$0x3FBF]  }
0x9a: {  	s12 =	sld [smem:$0x3FD0];
	(tm) =	ssettm $0x1  }
0x9b: {  	s13 =	sld [smem:$0x3FFB];
	_ =	sdelay $0x3  }
0x9c: {  	_ =	strace s13  }
0x9d: {  	s13 =	sld [smem:$0x3FFC];
	_ =	sdelay $0x3  }
0x9e: {  	_ =	strace s13  }
0x9f: {  	s13 =	sld [smem:$0x3FFD];
	_ =	sdelay $0x3  }
0xa0: {  	_ =	strace s13  }
0xa1: {  	_ =	strace $0x8FFFFFFF  }
0xa2: {  	s19 =	sld [smem:$0x3FDB];
	_ =	sdelay $0x1  }
0xa3: {  	s14 =	simm.s32 $_scs_section_size  }
0xa4: {  	s15 =	simm.s32 $_size__tile_overlayer_lowered;
	s16 =	simm.s32 $_tile_overlayer_lowered  }
0xa5: {  	s22 =	simm.s32 $0x1BFF;
	s21 =	sshll.u32 s16, $0x1;
	s13 =	sadd.s32 s14, s19  }
0xa6: {  	s20 =	sshll.u32 s15, $0x1;
	s17 =	simm.s32 $0x0;
	s15 =	sadd.s32 s21, s13  }
0xa7: {  	[timem:s17], [sflag:s22] =	dma.local [hbm:s15], s20  }
0xa8: {  	_ =	swait.ge [sflag:s22], s20  }
0xa9: {  	s14 =	ssub.s32 $0x0, s20;
	[sflag:s22] =	ssyncset.done $0x0  }
0xaa: {  	[sflag:s22] =	ssyncadd.s32 s14;
	_ =	sdelay $0x1  }
0xab: {  	s23 =	simm.s32 $0x1B8B  }
0xac: {  	_ =	swait.ge [sflag:s23], $0x1  }
0xad: {  	[sflag:s23] =	ssyncset.done $0x0  }
0xae: {  	s25 =	simm.s32 $0x1B8E;
	s24 =	sld [smem:$0x3FFE];
	[sflag:s23] =	ssyncadd.s32 $0xFFFFFFFF  }
0xaf: {  	s26 =	simm.s32 $execute0_lowered;
	[smem:$0x3FD2] =	sst s25  }
0xb0: {  	s15 =	sshll.u32 s26, $0x1;
	_ =	strace $0x80000046;
	[dreg:$0x1] =	wrdreg $0xFFFFFFFF  }
0xb1: {  	s28 =	simm.s32 $_size_execute0_lowered;
	s13 =	sadd.s32 s13, s15;
	[dreg:$0x0] =	wrdreg $0x0  }
0xb2: {  	s15 =	sshll.u32 s28, $0x1;
	[dreg:$0x2] =	wrdreg s13  }
0xb3: {  	[dreg:$0x3] =	wrdreg s15  }
0xb4: {  	[dreg:$0x4] =	wrdreg $0xC0  }
0xb5: {  	_ =	task [dreg:s17], $0x5FFFF  }
0xb6: {  	[dreg:$0x1] =	wrdreg $0xFFFFFFFF  }
0xb7: {  	[dreg:$0x0] =	wrdreg $0x60  }
0xb8: {  	[dreg:$0x2] =	wrdreg s2  }
0xb9: {  	[dreg:$0x3] =	wrdreg s18  }
0xba: {  	[dreg:$0x4] =	wrdreg s4  }
0xbb: {  	[dreg:$0x5] =	wrdreg s5  }
0xbc: {  	[dreg:$0x6] =	wrdreg s6  }
0xbd: {  	[dreg:$0x7] =	wrdreg s7  }
0xbe: {  	[dreg:$0x8] =	wrdreg s12  }
0xbf: {  	[dreg:$0x9] =	wrdreg s8  }
0xc0: {  	[dreg:$0xa] =	wrdreg s9  }
0xc1: {  	[dreg:$0xb] =	wrdreg s10  }
0xc2: {  	[dreg:$0xc] =	wrdreg s11  }
0xc3: {  	[dreg:$0xd] =	wrdreg s24  }
0xc4: {  	[dreg:$0xe] =	wrdreg $0x9  }
0xc5: {  	_ =	task.clear_ibuf [dreg:s17], $0xFFFFF;
	_ =	strace $0x90000046  }
0xc6: {  	s29 =	simm.s32 $0x9;
	_ =	strace $0x80000048  }
0xc7: {  	_ =	swait.ge [sflag:s29], $0x1  }
0xc8: {  	[sflag:s29] =	ssyncadd.s32 $0xFFFFFFFF  }
0xc9: {  	_ =	strace $0x90000048  }
0xca: {  	_ =	sfence  }
0xcb: {  	s30 =	sld [smem:$0x0];
	_ =	sdelay $0x2  }
0xcc: {  	s31 =	sshll.u32 s1, $0xD;
	s1 =	sshrl.u32 s1, $0x2  }
0xcd: {  	s3 =	sand.u32 $0x4000, s31;
	s1 =	sadd.s32 s1, s30  }
0xce: {  	s0 =	sor.u32 s3, s0;
	s1 =	sshll.u32 s1, $0x11  }
0xcf: {  	s0 =	sor.u32 s1, s0  }
0xd0: {  	s0 =	sadd.s32 $0x8F2B, s0  }
0xd1: {  	[sflag:s0] =	ssyncadd.remote.s32 $0x1  }
0xd2: {  	_ =	sfence.sel $0xFFFF  }
0xd3: {  	[dreg:$0x0] =	wrdreg $0xFFFFFFFF;
	(pc) =	sbr.abs _section_cstart, $3  }
0xd4: {  	[dreg:$0x1] =	wrdreg $0xFFFFFFFF  }
0xd5: {  	_ =	task.clear_ibuf [dreg:s17], $0x2FFFF;
	_ =	strace $0x9FFFFFFF  }
0xd6: {  	(tm) =	ssettm $0x7FFFFFFF  }
0xd7: {  	_ =	shalt  }
tec
execute0_lowered:
.L_overlay_start_1:
0x0: {  	(tag) =	ssettag $0x1  }
0x1: {  	s0 =	rddreg [dreg:$0x0]  }
0x2: {  	s1 =	rddreg [dreg:$0x1]  }
0x3: {  	s2 =	rddreg [dreg:$0x2]  }
0x4: {  	s3 =	rddreg [dreg:$0x3]  }
0x5: {  	s4 =	rddreg [dreg:$0x4]  }
0x6: {  	s5 =	rddreg [dreg:$0x5]  }
0x7: {  	s6 =	rddreg [dreg:$0xb];
	s7 =	simm.s32 $0x0  }
0x8: {  	s8 =	srdreg.scid;
	s9 =	stileid.u32;
	s19 =	simm.s32 $0xC00  }
0x9: {  	s20 =	simm.s32 $0xC80;
	s21 =	simm.s32 $0x1080;
	s22 =	simm.s32 $0x1480  }
0xa: {  	s23 =	simm.s32 $0x1500;
	s24 =	simm.s32 $0x1;
	s25 =	simm.s32 $0x600  }
0xb: {  	s26 =	simm.s32 $0x1900;
	s28 =	simm.s32 $0x1F00;
	s29 =	simm.s32 $0x2  }
0xc: {  	s30 =	simm.s32 $0x3;
	s31 =	simm.s32 $0x2700;
	[smem:$0x7FF] =	sst s7  }
0xd: {  	s8 =	sand.u32 $0x1, s8;
	s9 =	sshll.u32 s9, $0x1;
	_ =	strace $0x80000047  }
0xe: {  	s9 =	sor.u32 s8, s9;
	s10 =	ssub.s32 $0x2, s8;
	s8 =	sadd.s32 $0xE00, s6  }
0xf: {  	s11 =	sshll.u32 s9, $0x4;
	s12 =	sshrl.u32 s10, $0x1;
	s14 =	sshll.u32 s9, $0x6  }
0x10: {  	s6 =	sadd.s32 s11, s6;
	s16 =	ssub.s32 s10, s12;
	s9 =	sadd.s32 s0, s14  }
0x11: {  	s10 =	sadd.s32 s1, s14;
	s11 =	sadd.s32 s2, s14;
	s12 =	sadd.s32 s3, s14  }
0x12: {  	s13 =	sadd.s32 s4, s14;
	s14 =	sadd.s32 s5, s14;
	s0 =	simm.s32 $0x4  }
0x13: {  	s15 =	sadd.s32 $0x42800, s6;
	s16 =	smax.u32 s16, $0x1;
	s6 =	simm.s32 $0x0  }
.LBB2_1:
0x14: {  	[tilespmem:s7], [sflag:$0x1] =	stream.linear.gather [hbm4b:s9+s7], $0x200, $0x38;
	[tilespmem:$0x2780] =	vst v63  }
0x15: {  	s1 =	simm.s32 $0x200  }
0x16: {  	[tilespmem:s1], [sflag:$0x1] =	stream.linear.gather [hbm4b:s10+s7], $0x200, $0x38;
	[tilespmem:$0x2780] =	vst v63  }
0x17: {  	s2 =	simm.s32 $0x400  }
0x18: {  	[tilespmem:s2], [sflag:$0x1] =	stream.linear.gather [hbm4b:s11+s7], $0x200, $0x38;
	[tilespmem:$0x2780] =	vst v63  }
0x19: {  	_ = 	snop  }
0x1a: {  	[tilespmem:s25], [sflag:$0x1] =	stream.linear.gather [hbm4b:s12+s7], $0x200, $0x38;
	[tilespmem:$0x2780] =	vst v63  }
0x1b: {  	s3 =	simm.s32 $0x800  }
0x1c: {  	[tilespmem:s3], [sflag:$0x2] =	stream.linear.gather [hbm4b:s13+s7], $0x200, $0x38;
	[tilespmem:$0x2780] =	vst v63  }
0x1d: {  	s17 =	simm.s32 $0xA00  }
0x1e: {  	[tilespmem:s17], [sflag:$0x2] =	stream.linear.gather [hbm4b:s14+s7], $0x200, $0x38;
	[tilespmem:$0x2780] =	vst v63  }
0x1f: {  	s18 =	rddreg [dreg:$0x6]  }
0x20: {  	[tilespmem:s19], [sflag:$0x2] =	stream.linear.gather [hbm4b:s18+s7], $0x80, $0x38;
	[tilespmem:$0x2780] =	vst v63  }
0x21: {  	s4 =	rddreg [dreg:$0x7]  }
0x22: {  	[tilespmem:s20], [sflag:$0x2] =	stream.linear.gather [hbm4b:s4+s7], $0x3E8, $0x38;
	[tilespmem:$0x2780] =	vst v63  }
0x23: {  	s5 =	rddreg [dreg:$0x8]  }
0x24: {  	[tilespmem:s21], [sflag:$0x2] =	stream.linear.gather [hbm4b:s5+s7], $0x3E8, $0x38;
	[tilespmem:$0x2780] =	vst v63  }
0x25: {  	s17 =	rddreg [dreg:$0x9]  }
0x26: {  	[tilespmem:s22], [sflag:$0x2] =	stream.linear.gather [hbm4b:s17+s7], $0x64, $0x38;
	[tilespmem:$0x2780] =	vst v63  }
0x27: {  	s18 =	rddreg [dreg:$0xa]  }
0x28: {  	[tilespmem:s23], [sflag:$0x2] =	stream.linear.gather [hbm4b:s18+s7], $0x3E8, $0x38;
	[tilespmem:$0x2780] =	vst v63  }
0x29: {  	_ =	swait.ge [sflag:s24], $0x200  }
0x2a: {  	[sflag:s24] =	ssyncset.done $0x0  }
0x2b: {  	[sflag:s24] =	ssyncadd.s32 $0xFFFFFE00  }
0x2c: {  	_ =	swait.ge [sflag:s24], $0x200  }
0x2d: {  	[sflag:s24] =	ssyncset.done $0x0  }
0x2e: {  	[sflag:s24] =	ssyncadd.s32 $0xFFFFFE00  }
0x2f: {  	_ =	swait.ge [sflag:s24], $0x200  }
0x30: {  	[sflag:s24] =	ssyncset.done $0x0  }
0x31: {  	[sflag:s24] =	ssyncadd.s32 $0xFFFFFE00  }
0x32: {  	_ =	swait.ge [sflag:s24], $0x200  }
0x33: {  	[sflag:s24] =	ssyncset.done $0x0  }
0x34: {  	[sflag:s24] =	ssyncadd.s32 $0xFFFFFE00  }
0x35: {  	v0 =	vld [tilespmem:s2+$0x0]  }
0x36: {  	v1 =	vld [tilespmem:s25+$0x0]  }
0x37: {  	v2 =	vld [tilespmem:s1+$0x0];
	_ =	sdelay $0x1  }
0x38: {  	v3 =	vld [tilespmem:s7+$0x0]  }
0x39: {  	v4 =	vshrl.u32 v0, $0x7;
	v5 =	vshll.u32 v0, $0x7;
	vm0 =	vlt.s32 v0, $0x64  }
0x3a: {  	v6 =	vand.u32 $0x7F, v0;
	v7 =	vshrl.u32 v1, $0x7;
	v4 =	vmul.u32 $0x41A00, v4  }
0x3b: {  	v2 =	vshll.u32 v2, $0x7;
	v1 =	vand.u32 $0x7F, v1;
	v7 =	vmul.u32 $0x41A00, v7  }
0x3c: {  	v1 =	vor.u32 v1, v5;
	v63 =	vnsel vm0, $0x64, v0;
	v2 =	vadd.s32 v2, v4  }
0x3d: {  	s3 =	simm.s32 $0x10;
	s4 =	simm.s32 $0x610;
	v1 =	vadd.s32 v7, v1;
	v0 =	vor.u32 v6, v2;
	v2 =	vshll.u32 v3, $0x7  }
0x3e: {  	s5 =	simm.s32 $0x1910;
	s17 =	simm.s32 $0x0;
	s18 =	sand.u32 $0x1F0, s7;
	[tilespmem:s26+$0x0] =	vst v0;
	v0 =	vadd.s32 $0x1F400, v1;
	v1 =	vadd.s32 v63, v2  }
.LBB2_2:
0x3f: {  	[tilespmem:s18+$0x1B00] =	vst v0;
	v0 =	vadd.s32 $0x3E800, v1;
	s17 =	sadd.s32 $0x10, s17;
	s1 =	sadd.s32 $0x10, s1;
	s2 =	sadd.s32 $0x10, s2  }
0x40: {  	p0 =	sne.s32 s3, $0x1F0;
	[tilespmem:s18+$0x1D00] =	vst v0;
	s18 =	smov.u32 s3;
	s3 =	sadd.s32 $0x10, s3  }
0x41: {  	v0 =	vld [tilespmem:s2+$0x0]  }
0x42: {  	v1 =	vld [tilespmem:s4+$0x0]  }
0x43: {  	v2 =	vld [tilespmem:s1+$0x0]  }
0x44: {  	v3 =	vld [tilespmem:s17+$0x0];
	_ =	sdelay $0x1  }
0x45: {  	v4 =	vshrl.u32 v0, $0x7;
	v5 =	vshll.u32 v0, $0x7;
	vm0 =	vlt.s32 v0, $0x64  }
.Ltmp0:
0x46: {  	v6 =	vand.u32 $0x7F, v0;
	v4 =	vmul.u32 $0x41A00, v4;
	v7 =	vshrl.u32 v1, $0x7;
	(pc) =	sbr.rel @p0 .LBB2_2-.Ltmp0, $4  }
0x47: {  	v1 =	vand.u32 $0x7F, v1;
	v2 =	vshll.u32 v2, $0x7;
	v7 =	vmul.u32 $0x41A00, v7  }
0x48: {  	v1 =	vor.u32 v1, v5;
	v2 =	vadd.s32 v2, v4;
	v4 =	vnsel vm0, $0x64, v0  }
0x49: {  	v0 =	vor.u32 v6, v2;
	v1 =	vadd.s32 v7, v1;
	v2 =	vshll.u32 v3, $0x7  }
0x4a: {  	s18 =	sand.u32 $0x1F0, s18;
	s4 =	sadd.s32 $0x10, s4;
	[tilespmem:s5+$0x0] =	vst v0;
	v0 =	vadd.s32 $0x1F400, v1;
	v1 =	vadd.s32 v4, v2;
	s5 =	sadd.s32 $0x10, s5  }
0x4b: {  	[tilespmem:s18+$0x1B00] =	vst v0;
	v0 =	vadd.s32 $0x3E800, v1  }
0x4c: {  	[tilespmem:s18+$0x1D00] =	vst v0  }
0x4d: {  	[tilespmem:s28], [sflag:$0x3] =	stream.indirect.gather [hbm4b:s8+s25], $0x1, s26, s25, $0xb8;
	[tilespmem:$0x2780] =	vst v63  }
0x4e: {  	_ =	swait.ge [sflag:s29], $0x200  }
0x4f: {  	[sflag:s29] =	ssyncset.done $0x0  }
0x50: {  	[sflag:s29] =	ssyncadd.s32 $0xFFFFFE00  }
0x51: {  	_ =	swait.ge [sflag:s29], $0x200  }
0x52: {  	[sflag:s29] =	ssyncset.done $0x0  }
0x53: {  	[sflag:s29] =	ssyncadd.s32 $0xFFFFFE00  }
0x54: {  	_ =	swait.ge [sflag:s29], $0x80  }
0x55: {  	[sflag:s29] =	ssyncset.done $0x0  }
0x56: {  	[sflag:s29] =	ssyncadd.s32 $0xFFFFFF80  }
0x57: {  	_ =	swait.ge [sflag:s29], $0x3E8  }
0x58: {  	[sflag:s29] =	ssyncset.done $0x0  }
0x59: {  	[sflag:s29] =	ssyncadd.s32 $0xFFFFFC18  }
0x5a: {  	_ =	swait.ge [sflag:s29], $0x3E8  }
0x5b: {  	[sflag:s29] =	ssyncset.done $0x0  }
0x5c: {  	[sflag:s29] =	ssyncadd.s32 $0xFFFFFC18  }
0x5d: {  	_ =	swait.ge [sflag:s29], $0x64  }
0x5e: {  	[sflag:s29] =	ssyncset.done $0x0  }
0x5f: {  	[sflag:s29] =	ssyncadd.s32 $0xFFFFFF9C  }
0x60: {  	_ =	swait.ge [sflag:s29], $0x3E8  }
0x61: {  	[sflag:s29] =	ssyncset.done $0x0  }
0x62: {  	s1 =	simm.s32 $0x0;
	[sflag:s29] =	ssyncadd.s32 $0xFFFFFC18  }
0x63: {  	v0 =	vld [tilespmem:s1+$0x400]  }
0x64: {  	v1 =	vld [tilespmem:s1+$0x0]  }
0x65: {  	v2 =	vld [tilespmem:s1+$0x200]  }
0x66: {  	v3 =	vld [tilespmem:s1+$0xA00]  }
0x67: {  	v4 =	vld [tilespmem:$0xC00];
	_ =	sdelay $0x4  }
0x68: {  	v4 =	vsub.f32 v4, v3;
	v3 =	vld [tilespmem:s1+$0x800]  }
0x69: {  	v5 =	vld.idx.msk [tilespmem:v0+s21+$0x0], $0xffff  }
0x6a: {  	v0 =	vld.idx.msk [tilespmem:v1+s22+$0x0], $0xffff  }
0x6b: {  	v1 =	vld.idx.msk [tilespmem:v2+s23+$0x0], $0xffff;
	_ =	sdelay $0x2  }
0x6c: {  	v4 =	vadd.f32 v5, v4  }
0x6d: {  	s2 =	simm.s32 $0x10;
	s3 =	simm.s32 $0x80;
	v2 =	vld.idx.msk [tilespmem:v2+s20+$0x0], $0xffff  }
.LBB2_4:
0x6e: {  	p0 =	sne.s32 s3, $0x7C0;
	v5 =	vld [tilespmem:s2+$0x400];
	v0 =	vadd.f32 v0, v4;
	v1 =	vmul.f32 v3, v1  }
0x6f: {  	v3 =	vld [tilespmem:s2+$0x0]  }
0x70: {  	v6 =	vld [tilespmem:s2+$0x200];
	v0 =	vadd.f32 v1, v0;
	_ =	sdelay $0x1  }
0x71: {  	v0 =	vadd.f32 v0, v2;
	_ =	sdelay $0x1  }
0x72: {  	v2 =	vld [tilespmem:s2+$0xA00];
	[tilespmem:s1+$0x2500] =	vst v0;
	s1 =	smov.u32 s2  }
0x73: {  	v4 =	vld [tilespmem:$0xC00]  }
0x74: {  	v5 =	vld.idx.msk [tilespmem:v5+s21+$0x0], $0xffff  }
0x75: {  	v0 =	vld.idx.msk [tilespmem:v3+s22+$0x0], $0xffff  }
0x76: {  	v1 =	vld.idx.msk [tilespmem:v6+s23+$0x0], $0xffff  }
.Ltmp1:
0x77: {  	v3 =	vld [tilespmem:s1+$0x800];
	(pc) =	sbr.rel @p0 .LBB2_4-.Ltmp1, $3  }
0x78: {  	v2 =	vsub.f32 v4, v2;
	_ =	sdelay $0x1  }
0x79: {  	v4 =	vadd.f32 v5, v2;
	v2 =	vld.idx.msk [tilespmem:v6+s20+$0x0], $0xffff  }
0x7a: {  	s2 =	sshra.s32 s3, $0x2;
	s3 =	sadd.s32 $0x40, s3  }
0x7b: {  	v0 =	vadd.f32 v0, v4;
	v1 =	vmul.f32 v3, v1  }
0x7c: {  	v5 =	vld [tilespmem:s2+$0x400]  }
0x7d: {  	v3 =	vld [tilespmem:s2+$0x0];
	v0 =	vadd.f32 v1, v0  }
0x7e: {  	v4 =	vld [tilespmem:s2+$0x200]  }
0x7f: {  	v0 =	vadd.f32 v0, v2;
	_ =	sdelay $0x1  }
0x80: {  	v1 =	vld [tilespmem:s2+$0xA00];
	[tilespmem:s1+$0x2500] =	vst v0  }
0x81: {  	v0 =	vld [tilespmem:$0xC00]  }
0x82: {  	v6 =	vld [tilespmem:s2+$0x800]  }
0x83: {  	v2 =	vld.idx.msk [tilespmem:v5+s21+$0x0], $0xffff  }
0x84: {  	v3 =	vld.idx.msk [tilespmem:v3+s22+$0x0], $0xffff  }
0x85: {  	v5 =	vld.idx.msk [tilespmem:v4+s23+$0x0], $0xffff  }
0x86: {  	v0 =	vsub.f32 v0, v1;
	_ =	sdelay $0x1  }
0x87: {  	v0 =	vadd.f32 v2, v0  }
0x88: {  	v1 =	vld.idx.msk [tilespmem:v4+s20+$0x0], $0xffff  }
0x89: {  	v2 =	vmul.f32 v6, v5;
	v0 =	vadd.f32 v3, v0;
	_ =	sdelay $0x1  }
0x8a: {  	v0 =	vadd.f32 v2, v0;
	_ =	sdelay $0x1  }
0x8b: {  	v0 =	vadd.f32 v0, v1;
	_ =	sdelay $0x1  }
0x8c: {  	[tilespmem:s2+$0x2500] =	vst v0  }
0x8d: {  	_ =	swait.ge [sflag:s30], $0x600  }
0x8e: {  	[sflag:s30] =	ssyncset.done $0x0  }
0x8f: {  	s3 =	simm.s32 $0x2500;
	[sflag:s30] =	ssyncadd.s32 $0xFFFFFA00  }
0x90: {  	s4 =	simm.s32 $0x1F00;
	v0 =	vld [tilespmem:s3+$0x0]  }
0x91: {  	s5 =	simm.s32 $0x0;
	v1 =	vld [tilespmem:s4+$0x0]  }
0x92: {  	s1 =	sand.u32 $0x1F0, s5  }
0x93: {  	v2 =	vld [tilespmem:s1+$0x2100];
	_ =	sdelay $0x1  }
0x94: {  	v4 =	vld [tilespmem:s1+$0x2300];
	s1 =	simm.s32 $0x1F10  }
0x95: {  	s17 =	simm.s32 $0x2510;
	v3 =	vld [tilespmem:s1+$0x0];
	v1 =	vadd.f32 v1, v0  }
0x96: {  	s18 =	simm.s32 $0x10;
	v0 =	vld [tilespmem:s17+$0x0]  }
0x97: {  	s3 =	sand.u32 $0x1F0, s18;
	v5 =	vadd.f32 v2, v1  }
0x98: {  	v2 =	vld [tilespmem:s3+$0x2100]  }
0x99: {  	v5 =	vadd.f32 v4, v5  }
0x9a: {  	s2 =	simm.s32 $0x20;
	v1 =	vimm.f32 $0.0e+00;
	v4 =	vld [tilespmem:s3+$0x2300];
	s3 =	simm.s32 $0x2520  }
.LBB2_6:
0x9b: {  	v6 =	vadd.f32 v3, v0;
	v0 =	vld [tilespmem:s3+$0x0];
	s1 =	sadd.s32 $0x10, s1;
	v5 =	vmul.f32 v5, v5;
	s4 =	smov.u32 s2;
	p0 =	sne.s32 s2, $0x1F0  }
.Ltmp2:
0x9c: {  	s2 =	sadd.s32 $0x10, s2;
	v3 =	vld [tilespmem:s1+$0x0];
	(pc) =	sbr.rel @p0 .LBB2_6-.Ltmp2, $4  }
0x9d: {  	s4 =	sand.u32 $0x1F0, s4;
	v6 =	vadd.f32 v2, v6;
	v1 =	vadd.f32 v5, v1  }
0x9e: {  	v2 =	vld [tilespmem:s4+$0x2100]  }
0x9f: {  	v5 =	vadd.f32 v4, v6  }
0xa0: {  	s3 =	sadd.s32 $0x10, s3;
	v4 =	vld [tilespmem:s4+$0x2300]  }
0xa1: {  	v0 =	vadd.f32 v3, v0;
	_ =	sdelay $0x1  }
0xa2: {  	v0 =	vadd.f32 v2, v0;
	_ =	sdelay $0x1  }
0xa3: {  	v63 =	vmul.f32 v5, v5;
	v0 =	vadd.f32 v4, v0;
	_ =	sdelay $0x1  }
0xa4: {  	v1 =	vadd.f32 v63, v1;
	v0 =	vmul.f32 v0, v0;
	_ =	sdelay $0x1  }
0xa5: {  	s6 =	sadd.s32 $0x1, s6;
	v0 =	vadd.f32 v0, v1  }
0xa6: {  	p0 =	sne.s32 s6, s16  }
.Ltmp3:
0xa7: {  	[tilespmem:$0x2700] =	vst v0;
	(pc) =	sbr.rel @p0 .LBB2_1-.Ltmp3, $4  }
0xa8: {  	[hbm4b:s15+s7] =	stream.linear.scatter [tilespmem:s31], [sflag:$0x4], $0x80, $0x38;
	[tilespmem:$0x2780] =	vst v63  }
0xa9: {  	_ =	swait.ge [sflag:s0], $0x80  }
0xaa: {  	[sflag:s0] =	ssyncset.done $0x0  }
0xab: {  	[sflag:s0] =	ssyncadd.s32 $0xFFFFFF80  }
0xac: {  	_ =	sfence.sel $0x180000  }
0xad: {  	[bflag:$0x0] =	sbarrier.arrive $0xFFFF  }
0xae: {  	_ =	strace $0x90000047  }
0xaf: {  	s0 =	stileid.u32;
	[bflag:$0x2] =	sbarrier.arrive $0xFFFF  }
0xb0: {  	p0 =	sne.s32 s0, $0x0;
	s0 =	rddreg [dreg:$0xc]  }
0xb1: {  	s0 =	sadd.s32 @!p0 $0x100000, s0  }
0xb2: {  	[sflag:s0] =	ssyncadd.tile.s32 @!p0 $0x1;
	_ =	shalt  }
.Lfunc_end2:
_tile_overlayer_lowered:
.L_overlay_start_2:
0xb3: {  	(tag) =	ssettag $0x2  }
0xb4: {  	s0 =	rddreg [dreg:$0x0];
	s2 =	stileid.u32  }
0xb5: {  	s1 =	rddreg [dreg:$0x1];
	p0 =	sne.s32 s2, $0x0  }
0xb6: {  	s3 =	rddreg [dreg:$0x2];
	[bflag:$0x3] =	sbarrier.arrive $0xFFFF;
	s2 =	simm.s32 @!p0 $0x1C04  }
0xb7: {  	[timem:s3], [sflag:s2] =	dma.local @!p0 [hbm:s0], s1  }
0xb8: {  	s0 =	simm.s32 @!p0 $0x4  }
0xb9: {  	_ =	swait.ge @!p0 [sflag:s0], s1  }
0xba: {  	s1 =	ssub.s32 @!p0 $0x0, s1;
	[sflag:s0] =	ssyncset.done @!p0 $0x0  }
0xbb: {  	[sflag:s0] =	ssyncadd.s32 @!p0 s1  }
0xbc: {  	[bflag:$0x3] =	sbarrier.arrive $0xFFFF  }
0xbd: {  	_ =	shalt  }

</sc_bundles>
